<compile_context>
chip_gen: v7x
topology: tpu7x:2x2x1
jax: 0.10.2.dev20260603
libtpu: 0.0.44.dev20260713+nightly
codegen_flags: <defaults>
</compile_context>

<pallas_src>
import functools

import jax
import jax.numpy as jnp
from jax import lax
from jax.experimental import pallas as pl
from jax.experimental.pallas import tpu as pltpu
from jax.experimental.pallas import tpu_sc as plsc

BATCH = 16384
EMBED = 32
NUM_CORES = 2
NUM_SUBCORES = 16
NW = NUM_CORES * NUM_SUBCORES
BPW = BATCH // NW
LANES = 16
CHUNK = 256
GROUP = 128 // EMBED


def _sc_forward(user_id, ad_id, u_r, a_r, wb):
    mesh = plsc.VectorSubcoreMesh(core_axis_name="c", subcore_axis_name="s")

    @functools.partial(
        pl.kernel,
        out_type=jax.ShapeDtypeStruct((BATCH,), jnp.float32),
        mesh=mesh,
        scratch_types=[
            pltpu.VMEM((BPW,), jnp.int32),
            pltpu.VMEM((BPW,), jnp.int32),
            pltpu.VMEM((CHUNK,), jnp.int32),
            pltpu.VMEM((CHUNK,), jnp.int32),
            pltpu.VMEM((CHUNK, 128), jnp.float32),
            pltpu.VMEM((CHUNK, 128), jnp.float32),
            pltpu.VMEM((2, LANES), jnp.float32),
            pltpu.VMEM((BPW,), jnp.float32),
            pltpu.SemaphoreType.DMA,
            pltpu.SemaphoreType.DMA,
        ],
        compiler_params=pltpu.CompilerParams(use_tc_tiling_on_sc=True,
                                             needs_layout_passes=False),
    )
    def k(uid_hbm, aid_hbm, ut_hbm, at_hbm, wb_hbm, out_hbm,
          uid_v, aid_v, ug_v, ag_v, urows_v, arows_v, wb_v, dots_v,
          sem_u, sem_a):
        wid = lax.axis_index("s") * NUM_CORES + lax.axis_index("c")
        base = wid * BPW
        pltpu.sync_copy(uid_hbm.at[pl.ds(base, BPW)], uid_v)
        pltpu.sync_copy(aid_hbm.at[pl.ds(base, BPW)], aid_v)
        pltpu.sync_copy(wb_hbm, wb_v)
        w = wb_v[0, :]
        b = wb_v[1, :]

        @pl.loop(0, BPW, step=CHUNK)
        def _(c0):
            @pl.loop(0, CHUNK, step=LANES)
            def _(jb):
                uvec = uid_v[pl.ds(c0 + jb, LANES)]
                avec = aid_v[pl.ds(c0 + jb, LANES)]
                ug_v[pl.ds(jb, LANES)] = jax.lax.shift_right_logical(uvec, 2)
                ag_v[pl.ds(jb, LANES)] = jax.lax.shift_right_logical(avec, 2)

            cu = pltpu.async_copy(ut_hbm.at[ug_v], urows_v, sem_u)
            ca = pltpu.async_copy(at_hbm.at[ag_v], arows_v, sem_a)
            cu.wait()
            ca.wait()

            @pl.loop(0, CHUNK, step=LANES)
            def _(jb):
                uvec = uid_v[pl.ds(c0 + jb, LANES)]
                avec = aid_v[pl.ds(c0 + jb, LANES)]
                uoff = (uvec & (GROUP - 1)) * EMBED
                aoff = (avec & (GROUP - 1)) * EMBED
                rows = jax.lax.iota(jnp.int32, LANES) + jb
                acc = plsc.load_gather(urows_v, [rows, uoff]) * \
                    plsc.load_gather(arows_v, [rows, aoff])
                for e in range(1, EMBED):
                    acc += plsc.load_gather(urows_v, [rows, uoff + e]) * \
                        plsc.load_gather(arows_v, [rows, aoff + e])
                z = acc * w + b
                dots_v[pl.ds(c0 + jb, LANES)] = 1.0 / (1.0 + jnp.exp(-z))

        pltpu.sync_copy(dots_v, out_hbm.at[pl.ds(base, BPW)])

    return k(user_id, ad_id, u_r, a_r, wb)


def kernel(user_id, ad_id, user_table, ad_table, fc_w, fc_b):
    u_r = user_table.reshape(user_table.shape[0] // GROUP, 128)
    a_r = ad_table.reshape(ad_table.shape[0] // GROUP, 128)
    w = fc_w.reshape(())
    b = fc_b.reshape(())
    wb = jnp.stack([jnp.broadcast_to(w, (LANES,)),
                    jnp.broadcast_to(b, (LANES,))])
    out = _sc_forward(user_id, ad_id, u_r, a_r, wb)
    return out.reshape(BATCH, 1)

# --- scband reference (transcript-rebuilt; emitter-appended) ---
"""Pipeline reference for scband-ad-user-embedding-model-27341761806721 (READ-ONLY COPY).

The authoritative reference and input builder live on the scoring server;
editing this copy changes nothing except your own understanding.
"""

import jax, jax.numpy as jnp
import numpy as np

USER_LENGTH = 1000000
AD_LENGTH = 100000
EMBED = 32
BATCH = 16384

def setup_inputs(seed: int = 0) -> dict:
    key = jax.random.key(seed)
    k1, k2, k3, k4, k5, k6 = jax.random.split(key, 6)
    user_id = jax.random.randint(k1, (BATCH,), 0, USER_LENGTH, dtype=jnp.int64 if jax.config.jax_enable_x64 else jnp.int32)
    ad_id = jax.random.randint(k2, (BATCH,), 0, AD_LENGTH, dtype=jnp.int64 if jax.config.jax_enable_x64 else jnp.int32)
    user_table = jax.random.normal(k3, (USER_LENGTH, EMBED), dtype=jnp.float32)
    ad_table = jax.random.normal(k4, (AD_LENGTH, EMBED), dtype=jnp.float32)
    fc_w = jax.random.normal(k5, (1, 1), dtype=jnp.float32)
    fc_b = jax.random.normal(k6, (1,), dtype=jnp.float32)
    return {"user_id": user_id, "ad_id": ad_id, "user_table": user_table, "ad_table": ad_table, "fc_w": fc_w, "fc_b": fc_b}

def reference(user_id, ad_id, user_table, ad_table, fc_w, fc_b):
    user_embedded = jnp.take(user_table, user_id, axis=0)          # [B, E] gather
    ad_embedded = jnp.take(ad_table, ad_id, axis=0)                # [B, E] gather
    dot_product = jnp.sum(user_embedded * ad_embedded, axis=1, keepdims=True)  # [B, 1]
    output = dot_product @ fc_w.T + fc_b                            # Linear(1,1)
    return jax.nn.sigmoid(output)

if __name__ == "__main__":
    import jax
    _d = setup_inputs()
    print(jax.jit(kernel)(*tuple(_d.values())))

</pallas_src>

<mosaic_0001>
#map = affine_map<(d0, d1) -> (0)>
#map1 = affine_map<(d0, d1) -> (0, 0)>
module attributes {stable_mosaic.version = 14 : i64} {
  func.func @k(%arg0: i32, %arg1: i32, %arg2: memref<16384xi32, #tpu.memory_space<hbm>>, %arg3: memref<16384xi32, #tpu.memory_space<hbm>>, %arg4: memref<250000x128xf32, #tpu.memory_space<hbm>>, %arg5: memref<25000x128xf32, #tpu.memory_space<hbm>>, %arg6: memref<2x16xf32, #tpu.memory_space<hbm>>, %arg7: memref<16384xf32, #tpu.memory_space<hbm>>, %arg8: memref<512xi32, #tpu.memory_space<vmem>>, %arg9: memref<512xi32, #tpu.memory_space<vmem>>, %arg10: memref<256xi32, #tpu.memory_space<vmem>>, %arg11: memref<256xi32, #tpu.memory_space<vmem>>, %arg12: memref<256x128xf32, #tpu.memory_space<vmem>>, %arg13: memref<256x128xf32, #tpu.memory_space<vmem>>, %arg14: memref<2x16xf32, #tpu.memory_space<vmem>>, %arg15: memref<512xf32, #tpu.memory_space<vmem>>, %arg16: memref<!tpu.dma_semaphore, #tpu.memory_space<semaphore_mem>>, %arg17: memref<!tpu.dma_semaphore, #tpu.memory_space<semaphore_mem>>) attributes {dimension_semantics = [#tpu.dimension_semantics<core_parallel>, #tpu.dimension_semantics<subcore_parallel>], iteration_bounds = array<i64: 2, 16>, scalar_prefetch = 0 : i64, scratch_operands = 10 : i64, tpu.core_type = #tpu.core_type<sc_vector_subcore>, window_params = [{transform_indices = #map}, {transform_indices = #map}, {transform_indices = #map1}, {transform_indices = #map1}, {transform_indices = #map1}, {transform_indices = #map}]} {
    %mul3A = arith.constant 2 : i32
    %mul3A_0 = arith.muli %arg1, %mul3A : i32
    %add3A = arith.addi %mul3A_0, %arg0 : i32
    %mul3A_1 = arith.constant 512 : i32
    %mul3A_2 = arith.muli %add3A, %mul3A_1 : i32
    "tpu.region"() ({
      %run_scoped3A = tpu.sem_alloc : memref<!tpu.dma_semaphore, #tpu.memory_space<semaphore_mem>>
      %dma_start3A = tpu.memref_slice %arg2[%mul3A_2] : memref<16384xi32, #tpu.memory_space<hbm>> -> memref<512xi32, #tpu.memory_space<hbm>>
      %dma_start3A_14 = tpu.memref_slice %arg2[%mul3A_2] : memref<16384xi32, #tpu.memory_space<hbm>> -> memref<512xi32, #tpu.memory_space<hbm>>
      tpu.enqueue_dma source(%dma_start3A_14 : memref<512xi32, #tpu.memory_space<hbm>>) target(%arg8 : memref<512xi32, #tpu.memory_space<vmem>>) target_semaphore(%run_scoped3A : memref<!tpu.dma_semaphore, #tpu.memory_space<semaphore_mem>>)
      %dma_wait3A = tpu.memref_slice %arg2[%mul3A_2] : memref<16384xi32, #tpu.memory_space<hbm>> -> memref<512xi32, #tpu.memory_space<hbm>>
      %dma_wait3A_15 = tpu.memref_slice %arg2[%mul3A_2] : memref<16384xi32, #tpu.memory_space<hbm>> -> memref<512xi32, #tpu.memory_space<hbm>>
      tpu.wait_dma2 semaphore(%run_scoped3A : memref<!tpu.dma_semaphore, #tpu.memory_space<semaphore_mem>>) src(%dma_wait3A_15 : memref<512xi32, #tpu.memory_space<hbm>>) dst(%arg8 : memref<512xi32, #tpu.memory_space<vmem>>)
      tpu.yield
    }) : () -> ()
    "tpu.region"() ({
      %run_scoped3A = tpu.sem_alloc : memref<!tpu.dma_semaphore, #tpu.memory_space<semaphore_mem>>
      %dma_start3A = tpu.memref_slice %arg3[%mul3A_2] : memref<16384xi32, #tpu.memory_space<hbm>> -> memref<512xi32, #tpu.memory_space<hbm>>
      %dma_start3A_14 = tpu.memref_slice %arg3[%mul3A_2] : memref<16384xi32, #tpu.memory_space<hbm>> -> memref<512xi32, #tpu.memory_space<hbm>>
      tpu.enqueue_dma source(%dma_start3A_14 : memref<512xi32, #tpu.memory_space<hbm>>) target(%arg9 : memref<512xi32, #tpu.memory_space<vmem>>) target_semaphore(%run_scoped3A : memref<!tpu.dma_semaphore, #tpu.memory_space<semaphore_mem>>)
      %dma_wait3A = tpu.memref_slice %arg3[%mul3A_2] : memref<16384xi32, #tpu.memory_space<hbm>> -> memref<512xi32, #tpu.memory_space<hbm>>
      %dma_wait3A_15 = tpu.memref_slice %arg3[%mul3A_2] : memref<16384xi32, #tpu.memory_space<hbm>> -> memref<512xi32, #tpu.memory_space<hbm>>
      tpu.wait_dma2 semaphore(%run_scoped3A : memref<!tpu.dma_semaphore, #tpu.memory_space<semaphore_mem>>) src(%dma_wait3A_15 : memref<512xi32, #tpu.memory_space<hbm>>) dst(%arg9 : memref<512xi32, #tpu.memory_space<vmem>>)
      tpu.yield
    }) : () -> ()
    "tpu.region"() ({
      %run_scoped3A = tpu.sem_alloc : memref<!tpu.dma_semaphore, #tpu.memory_space<semaphore_mem>>
      tpu.enqueue_dma source(%arg6 : memref<2x16xf32, #tpu.memory_space<hbm>>) target(%arg14 : memref<2x16xf32, #tpu.memory_space<vmem>>) target_semaphore(%run_scoped3A : memref<!tpu.dma_semaphore, #tpu.memory_space<semaphore_mem>>)
      tpu.wait_dma2 semaphore(%run_scoped3A : memref<!tpu.dma_semaphore, #tpu.memory_space<semaphore_mem>>) src(%arg6 : memref<2x16xf32, #tpu.memory_space<hbm>>) dst(%arg14 : memref<2x16xf32, #tpu.memory_space<vmem>>)
      tpu.yield
    }) : () -> ()
    %get3A = arith.constant 0 : i32
    %get3A_3 = arith.index_cast %get3A : i32 to index
    %get3A_4 = arith.constant 0 : index
    %get3A_5 = tpu.vector_load %arg14[%get3A_3, %get3A_4] {strides = array<i32>} : memref<2x16xf32, #tpu.memory_space<vmem>>, vector<16xf32>,
    %get3A_6 = arith.constant 1 : i32
    %get3A_7 = arith.index_cast %get3A_6 : i32 to index
    %get3A_8 = arith.constant 0 : index
    %get3A_9 = tpu.vector_load %arg14[%get3A_7, %get3A_8] {strides = array<i32>} : memref<2x16xf32, #tpu.memory_space<vmem>>, vector<16xf32>,
    %scan3A = arith.constant 0 : i32
    %scan3A_10 = arith.constant 2 : i32
    %scan3A_11 = arith.addi %scan3A, %scan3A_10 : i32
    %scan3A_12 = arith.constant 1 : i32
    scf.for %scan3A_14 = %scan3A to %scan3A_11 step %scan3A_12  : i32 {
      %mul3A_15 = arith.constant 256 : i32
      %mul3A_16 = arith.muli %scan3A_14, %mul3A_15 : i32
      %add3A_17 = arith.constant 0 : i32
      %add3A_18 = arith.addi %add3A_17, %mul3A_16 : i32
      %scan3A_19 = arith.constant 0 : i32
      %scan3A_20 = arith.constant 16 : i32
      %scan3A_21 = arith.addi %scan3A_19, %scan3A_20 : i32
      %scan3A_22 = arith.constant 1 : i32
      scf.for %scan3A_39 = %scan3A_19 to %scan3A_21 step %scan3A_22  : i32 {
        %mul3A_40 = arith.constant 16 : i32
        %mul3A_41 = arith.muli %scan3A_39, %mul3A_40 : i32
        %add3A_42 = arith.constant 0 : i32
        %add3A_43 = arith.addi %add3A_42, %mul3A_41 : i32
        %add3A_44 = arith.addi %add3A_18, %add3A_43 : i32
        %get3A_45 = arith.index_cast %add3A_44 : i32 to index
        %get3A_46 = tpu.vector_load %arg8[%get3A_45] {strides = array<i32>} : memref<512xi32, #tpu.memory_space<vmem>>, vector<16xi32>,
        %add3A_47 = arith.addi %add3A_18, %add3A_43 : i32
        %get3A_48 = arith.index_cast %add3A_47 : i32 to index
        %get3A_49 = tpu.vector_load %arg9[%get3A_48] {strides = array<i32>} : memref<512xi32, #tpu.memory_space<vmem>>, vector<16xi32>,
        %shift_right_logical3A = arith.constant 2 : i32
        %shift_right_logical3A_50 = vector.broadcast %shift_right_logical3A : i32 to vector<16xi32>
        %shift_right_logical3A_51 = arith.shrui %get3A_46, %shift_right_logical3A_50 : vector<16xi32>
        %swap3A = arith.index_cast %add3A_43 : i32 to index
        %swap3A_52 = tpu.vector_load %arg10[%swap3A] {strides = array<i32>} : memref<256xi32, #tpu.memory_space<vmem>>, vector<16xi32>,
        tpu.vector_store %arg10[%swap3A], %shift_right_logical3A_51 {strides = array<i32>} : memref<256xi32, #tpu.memory_space<vmem>>, vector<16xi32>,
        %shift_right_logical3A_53 = arith.constant 2 : i32
        %shift_right_logical3A_54 = vector.broadcast %shift_right_logical3A_53 : i32 to vector<16xi32>
        %shift_right_logical3A_55 = arith.shrui %get3A_49, %shift_right_logical3A_54 : vector<16xi32>
        %swap3A_56 = arith.index_cast %add3A_43 : i32 to index
        %swap3A_57 = tpu.vector_load %arg11[%swap3A_56] {strides = array<i32>} : memref<256xi32, #tpu.memory_space<vmem>>, vector<16xi32>,
        tpu.vector_store %arg11[%swap3A_56], %shift_right_logical3A_55 {strides = array<i32>} : memref<256xi32, #tpu.memory_space<vmem>>, vector<16xi32>,
      }
      %scan3A_23 = arith.constant 16 : i32
      %dma_start3A = arith.constant 0 : i32
      %dma_start3A_24 = arith.constant 0 : i32
      %dma_start3A_25 = tpu.memref_slice %arg4[%dma_start3A, %dma_start3A_24] : memref<250000x128xf32, #tpu.memory_space<hbm>> -> memref<250000x128xf32, #tpu.memory_space<hbm>>
      tpu.enqueue_indirect_dma source(%dma_start3A_25 : memref<250000x128xf32, #tpu.memory_space<hbm>>) target(%arg12 : memref<256x128xf32, #tpu.memory_space<vmem>>) offsets(%arg10 : memref<256xi32, #tpu.memory_space<vmem>>) semaphore(%arg16 : memref<!tpu.dma_semaphore, #tpu.memory_space<semaphore_mem>>)
      %dma_start3A_26 = arith.constant 0 : i32
      %dma_start3A_27 = arith.constant 0 : i32
      %dma_start3A_28 = tpu.memref_slice %arg5[%dma_start3A_26, %dma_start3A_27] : memref<25000x128xf32, #tpu.memory_space<hbm>> -> memref<25000x128xf32, #tpu.memory_space<hbm>>
      tpu.enqueue_indirect_dma source(%dma_start3A_28 : memref<25000x128xf32, #tpu.memory_space<hbm>>) target(%arg13 : memref<256x128xf32, #tpu.memory_space<vmem>>) offsets(%arg11 : memref<256xi32, #tpu.memory_space<vmem>>) semaphore(%arg17 : memref<!tpu.dma_semaphore, #tpu.memory_space<semaphore_mem>>)
      %dma_wait3A = arith.constant 0 : i32
      %dma_wait3A_29 = arith.constant 0 : i32
      %dma_wait3A_30 = tpu.memref_slice %arg4[%dma_wait3A, %dma_wait3A_29] : memref<250000x128xf32, #tpu.memory_space<hbm>> -> memref<250000x128xf32, #tpu.memory_space<hbm>>
      tpu.wait_indirect_dma semaphore(%arg16 : memref<!tpu.dma_semaphore, #tpu.memory_space<semaphore_mem>>) src(%dma_wait3A_30 : memref<250000x128xf32, #tpu.memory_space<hbm>>) dst(%arg12 : memref<256x128xf32, #tpu.memory_space<vmem>>)
      %dma_wait3A_31 = arith.constant 0 : i32
      %dma_wait3A_32 = arith.constant 0 : i32
      %dma_wait3A_33 = tpu.memref_slice %arg5[%dma_wait3A_31, %dma_wait3A_32] : memref<25000x128xf32, #tpu.memory_space<hbm>> -> memref<25000x128xf32, #tpu.memory_space<hbm>>
      tpu.wait_indirect_dma semaphore(%arg17 : memref<!tpu.dma_semaphore, #tpu.memory_space<semaphore_mem>>) src(%dma_wait3A_33 : memref<25000x128xf32, #tpu.memory_space<hbm>>) dst(%arg13 : memref<256x128xf32, #tpu.memory_space<vmem>>)
      %scan3A_34 = arith.constant 0 : i32
      %scan3A_35 = arith.constant 16 : i32
      %scan3A_36 = arith.addi %scan3A_34, %scan3A_35 : i32
      %scan3A_37 = arith.constant 1 : i32
      scf.for %scan3A_39 = %scan3A_34 to %scan3A_36 step %scan3A_37  : i32 {
        %mul3A_40 = arith.constant 16 : i32
        %mul3A_41 = arith.muli %scan3A_39, %mul3A_40 : i32
        %add3A_42 = arith.constant 0 : i32
        %add3A_43 = arith.addi %add3A_42, %mul3A_41 : i32
        %add3A_44 = arith.addi %add3A_18, %add3A_43 : i32
        %get3A_45 = arith.index_cast %add3A_44 : i32 to index
        %get3A_46 = tpu.vector_load %arg8[%get3A_45] {strides = array<i32>} : memref<512xi32, #tpu.memory_space<vmem>>, vector<16xi32>,
        %add3A_47 = arith.addi %add3A_18, %add3A_43 : i32
        %get3A_48 = arith.index_cast %add3A_47 : i32 to index
        %get3A_49 = tpu.vector_load %arg9[%get3A_48] {strides = array<i32>} : memref<512xi32, #tpu.memory_space<vmem>>, vector<16xi32>,
        %and3A = arith.constant 3 : i32
        %and3A_50 = vector.broadcast %and3A : i32 to vector<16xi32>
        %and3A_51 = arith.andi %get3A_46, %and3A_50 : vector<16xi32>
        %mul3A_52 = arith.constant 32 : i32
        %mul3A_53 = vector.broadcast %mul3A_52 : i32 to vector<16xi32>
        %mul3A_54 = arith.muli %and3A_51, %mul3A_53 : vector<16xi32>
        %and3A_55 = arith.constant 3 : i32
        %and3A_56 = vector.broadcast %and3A_55 : i32 to vector<16xi32>
        %and3A_57 = arith.andi %get3A_49, %and3A_56 : vector<16xi32>
        %mul3A_58 = arith.constant 32 : i32
        %mul3A_59 = vector.broadcast %mul3A_58 : i32 to vector<16xi32>
        %mul3A_60 = arith.muli %and3A_57, %mul3A_59 : vector<16xi32>
        %iota3A = tpu.iota {dimensions = array<i32: 0>} : vector<16xi32>
        %add3A_61 = vector.broadcast %add3A_43 : i32 to vector<16xi32>
        %add3A_62 = arith.addi %iota3A, %add3A_61 : vector<16xi32>
        %gather3A = tpu.vector_load_idx %arg12[%add3A_62, %mul3A_54] : memref<256x128xf32, #tpu.memory_space<vmem>>[vector<16xi32>, vector<16xi32>], vector<16xf32>,
        %gather3A_63 = tpu.vector_load_idx %arg13[%add3A_62, %mul3A_60] : memref<256x128xf32, #tpu.memory_space<vmem>>[vector<16xi32>, vector<16xi32>], vector<16xf32>,
        %mul3A_64 = arith.mulf %gather3A, %gather3A_63 : vector<16xf32>
        %add3A_65 = arith.constant 1 : i32
        %add3A_66 = vector.broadcast %add3A_65 : i32 to vector<16xi32>
        %add3A_67 = arith.addi %mul3A_54, %add3A_66 : vector<16xi32>
        %gather3A_68 = tpu.vector_load_idx %arg12[%add3A_62, %add3A_67] : memref<256x128xf32, #tpu.memory_space<vmem>>[vector<16xi32>, vector<16xi32>], vector<16xf32>,
        %add3A_69 = arith.constant 1 : i32
        %add3A_70 = vector.broadcast %add3A_69 : i32 to vector<16xi32>
        %add3A_71 = arith.addi %mul3A_60, %add3A_70 : vector<16xi32>
        %gather3A_72 = tpu.vector_load_idx %arg13[%add3A_62, %add3A_71] : memref<256x128xf32, #tpu.memory_space<vmem>>[vector<16xi32>, vector<16xi32>], vector<16xf32>,
        %mul3A_73 = arith.mulf %gather3A_68, %gather3A_72 : vector<16xf32>
        %add3A_74 = arith.addf %mul3A_64, %mul3A_73 : vector<16xf32>
        %add3A_75 = arith.constant 2 : i32
        %add3A_76 = vector.broadcast %add3A_75 : i32 to vector<16xi32>
        %add3A_77 = arith.addi %mul3A_54, %add3A_76 : vector<16xi32>
        %gather3A_78 = tpu.vector_load_idx %arg12[%add3A_62, %add3A_77] : memref<256x128xf32, #tpu.memory_space<vmem>>[vector<16xi32>, vector<16xi32>], vector<16xf32>,
        %add3A_79 = arith.constant 2 : i32
        %add3A_80 = vector.broadcast %add3A_79 : i32 to vector<16xi32>
        %add3A_81 = arith.addi %mul3A_60, %add3A_80 : vector<16xi32>
        %gather3A_82 = tpu.vector_load_idx %arg13[%add3A_62, %add3A_81] : memref<256x128xf32, #tpu.memory_space<vmem>>[vector<16xi32>, vector<16xi32>], vector<16xf32>,
        %mul3A_83 = arith.mulf %gather3A_78, %gather3A_82 : vector<16xf32>
        %add3A_84 = arith.addf %add3A_74, %mul3A_83 : vector<16xf32>
        %add3A_85 = arith.constant 3 : i32
        %add3A_86 = vector.broadcast %add3A_85 : i32 to vector<16xi32>
        %add3A_87 = arith.addi %mul3A_54, %add3A_86 : vector<16xi32>
        %gather3A_88 = tpu.vector_load_idx %arg12[%add3A_62, %add3A_87] : memref<256x128xf32, #tpu.memory_space<vmem>>[vector<16xi32>, vector<16xi32>], vector<16xf32>,
        %add3A_89 = arith.constant 3 : i32
        %add3A_90 = vector.broadcast %add3A_89 : i32 to vector<16xi32>
        %add3A_91 = arith.addi %mul3A_60, %add3A_90 : vector<16xi32>
        %gather3A_92 = tpu.vector_load_idx %arg13[%add3A_62, %add3A_91] : memref<256x128xf32, #tpu.memory_space<vmem>>[vector<16xi32>, vector<16xi32>], vector<16xf32>,
        %mul3A_93 = arith.mulf %gather3A_88, %gather3A_92 : vector<16xf32>
        %add3A_94 = arith.addf %add3A_84, %mul3A_93 : vector<16xf32>
        %add3A_95 = arith.constant 4 : i32
        %add3A_96 = vector.broadcast %add3A_95 : i32 to vector<16xi32>
        %add3A_97 = arith.addi %mul3A_54, %add3A_96 : vector<16xi32>
        %gather3A_98 = tpu.vector_load_idx %arg12[%add3A_62, %add3A_97] : memref<256x128xf32, #tpu.memory_space<vmem>>[vector<16xi32>, vector<16xi32>], vector<16xf32>,
        %add3A_99 = arith.constant 4 : i32
        %add3A_100 = vector.broadcast %add3A_99 : i32 to vector<16xi32>
        %add3A_101 = arith.addi %mul3A_60, %add3A_100 : vector<16xi32>
        %gather3A_102 = tpu.vector_load_idx %arg13[%add3A_62, %add3A_101] : memref<256x128xf32, #tpu.memory_space<vmem>>[vector<16xi32>, vector<16xi32>], vector<16xf32>,
        %mul3A_103 = arith.mulf %gather3A_98, %gather3A_102 : vector<16xf32>
        %add3A_104 = arith.addf %add3A_94, %mul3A_103 : vector<16xf32>
        %add3A_105 = arith.constant 5 : i32
        %add3A_106 = vector.broadcast %add3A_105 : i32 to vector<16xi32>
        %add3A_107 = arith.addi %mul3A_54, %add3A_106 : vector<16xi32>
        %gather3A_108 = tpu.vector_load_idx %arg12[%add3A_62, %add3A_107] : memref<256x128xf32, #tpu.memory_space<vmem>>[vector<16xi32>, vector<16xi32>], vector<16xf32>,
        %add3A_109 = arith.constant 5 : i32
        %add3A_110 = vector.broadcast %add3A_109 : i32 to vector<16xi32>
        %add3A_111 = arith.addi %mul3A_60, %add3A_110 : vector<16xi32>
        %gather3A_112 = tpu.vector_load_idx %arg13[%add3A_62, %add3A_111] : memref<256x128xf32, #tpu.memory_space<vmem>>[vector<16xi32>, vector<16xi32>], vector<16xf32>,
        %mul3A_113 = arith.mulf %gather3A_108, %gather3A_112 : vector<16xf32>
        %add3A_114 = arith.addf %add3A_104, %mul3A_113 : vector<16xf32>
        %add3A_115 = arith.constant 6 : i32
        %add3A_116 = vector.broadcast %add3A_115 : i32 to vector<16xi32>
        %add3A_117 = arith.addi %mul3A_54, %add3A_116 : vector<16xi32>
        %gather3A_118 = tpu.vector_load_idx %arg12[%add3A_62, %add3A_117] : memref<256x128xf32, #tpu.memory_space<vmem>>[vector<16xi32>, vector<16xi32>], vector<16xf32>,
        %add3A_119 = arith.constant 6 : i32
        %add3A_120 = vector.broadcast %add3A_119 : i32 to vector<16xi32>
        %add3A_121 = arith.addi %mul3A_60, %add3A_120 : vector<16xi32>
        %gather3A_122 = tpu.vector_load_idx %arg13[%add3A_62, %add3A_121] : memref<256x128xf32, #tpu.memory_space<vmem>>[vector<16xi32>, vector<16xi32>], vector<16xf32>,
        %mul3A_123 = arith.mulf %gather3A_118, %gather3A_122 : vector<16xf32>
        %add3A_124 = arith.addf %add3A_114, %mul3A_123 : vector<16xf32>
        %add3A_125 = arith.constant 7 : i32
        %add3A_126 = vector.broadcast %add3A_125 : i32 to vector<16xi32>
        %add3A_127 = arith.addi %mul3A_54, %add3A_126 : vector<16xi32>
        %gather3A_128 = tpu.vector_load_idx %arg12[%add3A_62, %add3A_127] : memref<256x128xf32, #tpu.memory_space<vmem>>[vector<16xi32>, vector<16xi32>], vector<16xf32>,
        %add3A_129 = arith.constant 7 : i32
        %add3A_130 = vector.broadcast %add3A_129 : i32 to vector<16xi32>
        %add3A_131 = arith.addi %mul3A_60, %add3A_130 : vector<16xi32>
        %gather3A_132 = tpu.vector_load_idx %arg13[%add3A_62, %add3A_131] : memref<256x128xf32, #tpu.memory_space<vmem>>[vector<16xi32>, vector<16xi32>], vector<16xf32>,
        %mul3A_133 = arith.mulf %gather3A_128, %gather3A_132 : vector<16xf32>
        %add3A_134 = arith.addf %add3A_124, %mul3A_133 : vector<16xf32>
        %add3A_135 = arith.constant 8 : i32
        %add3A_136 = vector.broadcast %add3A_135 : i32 to vector<16xi32>
        %add3A_137 = arith.addi %mul3A_54, %add3A_136 : vector<16xi32>
        %gather3A_138 = tpu.vector_load_idx %arg12[%add3A_62, %add3A_137] : memref<256x128xf32, #tpu.memory_space<vmem>>[vector<16xi32>, vector<16xi32>], vector<16xf32>,
        %add3A_139 = arith.constant 8 : i32
        %add3A_140 = vector.broadcast %add3A_139 : i32 to vector<16xi32>
        %add3A_141 = arith.addi %mul3A_60, %add3A_140 : vector<16xi32>
        %gather3A_142 = tpu.vector_load_idx %arg13[%add3A_62, %add3A_141] : memref<256x128xf32, #tpu.memory_space<vmem>>[vector<16xi32>, vector<16xi32>], vector<16xf32>,
        %mul3A_143 = arith.mulf %gather3A_138, %gather3A_142 : vector<16xf32>
        %add3A_144 = arith.addf %add3A_134, %mul3A_143 : vector<16xf32>
        %add3A_145 = arith.constant 9 : i32
        %add3A_146 = vector.broadcast %add3A_145 : i32 to vector<16xi32>
        %add3A_147 = arith.addi %mul3A_54, %add3A_146 : vector<16xi32>
        %gather3A_148 = tpu.vector_load_idx %arg12[%add3A_62, %add3A_147] : memref<256x128xf32, #tpu.memory_space<vmem>>[vector<16xi32>, vector<16xi32>], vector<16xf32>,
        %add3A_149 = arith.constant 9 : i32
        %add3A_150 = vector.broadcast %add3A_149 : i32 to vector<16xi32>
        %add3A_151 = arith.addi %mul3A_60, %add3A_150 : vector<16xi32>
        %gather3A_152 = tpu.vector_load_idx %arg13[%add3A_62, %add3A_151] : memref<256x128xf32, #tpu.memory_space<vmem>>[vector<16xi32>, vector<16xi32>], vector<16xf32>,
        %mul3A_153 = arith.mulf %gather3A_148, %gather3A_152 : vector<16xf32>
        %add3A_154 = arith.addf %add3A_144, %mul3A_153 : vector<16xf32>
        %add3A_155 = arith.constant 10 : i32
        %add3A_156 = vector.broadcast %add3A_155 : i32 to vector<16xi32>
        %add3A_157 = arith.addi %mul3A_54, %add3A_156 : vector<16xi32>
        %gather3A_158 = tpu.vector_load_idx %arg12[%add3A_62, %add3A_157] : memref<256x128xf32, #tpu.memory_space<vmem>>[vector<16xi32>, vector<16xi32>], vector<16xf32>,
        %add3A_159 = arith.constant 10 : i32
        %add3A_160 = vector.broadcast %add3A_159 : i32 to vector<16xi32>
        %add3A_161 = arith.addi %mul3A_60, %add3A_160 : vector<16xi32>
        %gather3A_162 = tpu.vector_load_idx %arg13[%add3A_62, %add3A_161] : memref<256x128xf32, #tpu.memory_space<vmem>>[vector<16xi32>, vector<16xi32>], vector<16xf32>,
        %mul3A_163 = arith.mulf %gather3A_158, %gather3A_162 : vector<16xf32>
        %add3A_164 = arith.addf %add3A_154, %mul3A_163 : vector<16xf32>
        %add3A_165 = arith.constant 11 : i32
        %add3A_166 = vector.broadcast %add3A_165 : i32 to vector<16xi32>
        %add3A_167 = arith.addi %mul3A_54, %add3A_166 : vector<16xi32>
        %gather3A_168 = tpu.vector_load_idx %arg12[%add3A_62, %add3A_167] : memref<256x128xf32, #tpu.memory_space<vmem>>[vector<16xi32>, vector<16xi32>], vector<16xf32>,
        %add3A_169 = arith.constant 11 : i32
        %add3A_170 = vector.broadcast %add3A_169 : i32 to vector<16xi32>
        %add3A_171 = arith.addi %mul3A_60, %add3A_170 : vector<16xi32>
        %gather3A_172 = tpu.vector_load_idx %arg13[%add3A_62, %add3A_171] : memref<256x128xf32, #tpu.memory_space<vmem>>[vector<16xi32>, vector<16xi32>], vector<16xf32>,
        %mul3A_173 = arith.mulf %gather3A_168, %gather3A_172 : vector<16xf32>
        %add3A_174 = arith.addf %add3A_164, %mul3A_173 : vector<16xf32>
        %add3A_175 = arith.constant 12 : i32
        %add3A_176 = vector.broadcast %add3A_175 : i32 to vector<16xi32>
        %add3A_177 = arith.addi %mul3A_54, %add3A_176 : vector<16xi32>
        %gather3A_178 = tpu.vector_load_idx %arg12[%add3A_62, %add3A_177] : memref<256x128xf32, #tpu.memory_space<vmem>>[vector<16xi32>, vector<16xi32>], vector<16xf32>,
        %add3A_179 = arith.constant 12 : i32
        %add3A_180 = vector.broadcast %add3A_179 : i32 to vector<16xi32>
        %add3A_181 = arith.addi %mul3A_60, %add3A_180 : vector<16xi32>
        %gather3A_182 = tpu.vector_load_idx %arg13[%add3A_62, %add3A_181] : memref<256x128xf32, #tpu.memory_space<vmem>>[vector<16xi32>, vector<16xi32>], vector<16xf32>,
        %mul3A_183 = arith.mulf %gather3A_178, %gather3A_182 : vector<16xf32>
        %add3A_184 = arith.addf %add3A_174, %mul3A_183 : vector<16xf32>
        %add3A_185 = arith.constant 13 : i32
        %add3A_186 = vector.broadcast %add3A_185 : i32 to vector<16xi32>
        %add3A_187 = arith.addi %mul3A_54, %add3A_186 : vector<16xi32>
        %gather3A_188 = tpu.vector_load_idx %arg12[%add3A_62, %add3A_187] : memref<256x128xf32, #tpu.memory_space<vmem>>[vector<16xi32>, vector<16xi32>], vector<16xf32>,
        %add3A_189 = arith.constant 13 : i32
        %add3A_190 = vector.broadcast %add3A_189 : i32 to vector<16xi32>
        %add3A_191 = arith.addi %mul3A_60, %add3A_190 : vector<16xi32>
        %gather3A_192 = tpu.vector_load_idx %arg13[%add3A_62, %add3A_191] : memref<256x128xf32, #tpu.memory_space<vmem>>[vector<16xi32>, vector<16xi32>], vector<16xf32>,
        %mul3A_193 = arith.mulf %gather3A_188, %gather3A_192 : vector<16xf32>
        %add3A_194 = arith.addf %add3A_184, %mul3A_193 : vector<16xf32>
        %add3A_195 = arith.constant 14 : i32
        %add3A_196 = vector.broadcast %add3A_195 : i32 to vector<16xi32>
        %add3A_197 = arith.addi %mul3A_54, %add3A_196 : vector<16xi32>
        %gather3A_198 = tpu.vector_load_idx %arg12[%add3A_62, %add3A_197] : memref<256x128xf32, #tpu.memory_space<vmem>>[vector<16xi32>, vector<16xi32>], vector<16xf32>,
        %add3A_199 = arith.constant 14 : i32
        %add3A_200 = vector.broadcast %add3A_199 : i32 to vector<16xi32>
        %add3A_201 = arith.addi %mul3A_60, %add3A_200 : vector<16xi32>
        %gather3A_202 = tpu.vector_load_idx %arg13[%add3A_62, %add3A_201] : memref<256x128xf32, #tpu.memory_space<vmem>>[vector<16xi32>, vector<16xi32>], vector<16xf32>,
        %mul3A_203 = arith.mulf %gather3A_198, %gather3A_202 : vector<16xf32>
        %add3A_204 = arith.addf %add3A_194, %mul3A_203 : vector<16xf32>
        %add3A_205 = arith.constant 15 : i32
        %add3A_206 = vector.broadcast %add3A_205 : i32 to vector<16xi32>
        %add3A_207 = arith.addi %mul3A_54, %add3A_206 : vector<16xi32>
        %gather3A_208 = tpu.vector_load_idx %arg12[%add3A_62, %add3A_207] : memref<256x128xf32, #tpu.memory_space<vmem>>[vector<16xi32>, vector<16xi32>], vector<16xf32>,
        %add3A_209 = arith.constant 15 : i32
        %add3A_210 = vector.broadcast %add3A_209 : i32 to vector<16xi32>
        %add3A_211 = arith.addi %mul3A_60, %add3A_210 : vector<16xi32>
        %gather3A_212 = tpu.vector_load_idx %arg13[%add3A_62, %add3A_211] : memref<256x128xf32, #tpu.memory_space<vmem>>[vector<16xi32>, vector<16xi32>], vector<16xf32>,
        %mul3A_213 = arith.mulf %gather3A_208, %gather3A_212 : vector<16xf32>
        %add3A_214 = arith.addf %add3A_204, %mul3A_213 : vector<16xf32>
        %add3A_215 = arith.constant 16 : i32
        %add3A_216 = vector.broadcast %add3A_215 : i32 to vector<16xi32>
        %add3A_217 = arith.addi %mul3A_54, %add3A_216 : vector<16xi32>
        %gather3A_218 = tpu.vector_load_idx %arg12[%add3A_62, %add3A_217] : memref<256x128xf32, #tpu.memory_space<vmem>>[vector<16xi32>, vector<16xi32>], vector<16xf32>,
        %add3A_219 = arith.constant 16 : i32
        %add3A_220 = vector.broadcast %add3A_219 : i32 to vector<16xi32>
        %add3A_221 = arith.addi %mul3A_60, %add3A_220 : vector<16xi32>
        %gather3A_222 = tpu.vector_load_idx %arg13[%add3A_62, %add3A_221] : memref<256x128xf32, #tpu.memory_space<vmem>>[vector<16xi32>, vector<16xi32>], vector<16xf32>,
        %mul3A_223 = arith.mulf %gather3A_218, %gather3A_222 : vector<16xf32>
        %add3A_224 = arith.addf %add3A_214, %mul3A_223 : vector<16xf32>
        %add3A_225 = arith.constant 17 : i32
        %add3A_226 = vector.broadcast %add3A_225 : i32 to vector<16xi32>
        %add3A_227 = arith.addi %mul3A_54, %add3A_226 : vector<16xi32>
        %gather3A_228 = tpu.vector_load_idx %arg12[%add3A_62, %add3A_227] : memref<256x128xf32, #tpu.memory_space<vmem>>[vector<16xi32>, vector<16xi32>], vector<16xf32>,
        %add3A_229 = arith.constant 17 : i32
        %add3A_230 = vector.broadcast %add3A_229 : i32 to vector<16xi32>
        %add3A_231 = arith.addi %mul3A_60, %add3A_230 : vector<16xi32>
        %gather3A_232 = tpu.vector_load_idx %arg13[%add3A_62, %add3A_231] : memref<256x128xf32, #tpu.memory_space<vmem>>[vector<16xi32>, vector<16xi32>], vector<16xf32>,
        %mul3A_233 = arith.mulf %gather3A_228, %gather3A_232 : vector<16xf32>
        %add3A_234 = arith.addf %add3A_224, %mul3A_233 : vector<16xf32>
        %add3A_235 = arith.constant 18 : i32
        %add3A_236 = vector.broadcast %add3A_235 : i32 to vector<16xi32>
        %add3A_237 = arith.addi %mul3A_54, %add3A_236 : vector<16xi32>
        %gather3A_238 = tpu.vector_load_idx %arg12[%add3A_62, %add3A_237] : memref<256x128xf32, #tpu.memory_space<vmem>>[vector<16xi32>, vector<16xi32>], vector<16xf32>,
        %add3A_239 = arith.constant 18 : i32
        %add3A_240 = vector.broadcast %add3A_239 : i32 to vector<16xi32>
        %add3A_241 = arith.addi %mul3A_60, %add3A_240 : vector<16xi32>
        %gather3A_242 = tpu.vector_load_idx %arg13[%add3A_62, %add3A_241] : memref<256x128xf32, #tpu.memory_space<vmem>>[vector<16xi32>, vector<16xi32>], vector<16xf32>,
        %mul3A_243 = arith.mulf %gather3A_238, %gather3A_242 : vector<16xf32>
        %add3A_244 = arith.addf %add3A_234, %mul3A_243 : vector<16xf32>
        %add3A_245 = arith.constant 19 : i32
        %add3A_246 = vector.broadcast %add3A_245 : i32 to vector<16xi32>
        %add3A_247 = arith.addi %mul3A_54, %add3A_246 : vector<16xi32>
        %gather3A_248 = tpu.vector_load_idx %arg12[%add3A_62, %add3A_247] : memref<256x128xf32, #tpu.memory_space<vmem>>[vector<16xi32>, vector<16xi32>], vector<16xf32>,
        %add3A_249 = arith.constant 19 : i32
        %add3A_250 = vector.broadcast %add3A_249 : i32 to vector<16xi32>
        %add3A_251 = arith.addi %mul3A_60, %add3A_250 : vector<16xi32>
        %gather3A_252 = tpu.vector_load_idx %arg13[%add3A_62, %add3A_251] : memref<256x128xf32, #tpu.memory_space<vmem>>[vector<16xi32>, vector<16xi32>], vector<16xf32>,
        %mul3A_253 = arith.mulf %gather3A_248, %gather3A_252 : vector<16xf32>
        %add3A_254 = arith.addf %add3A_244, %mul3A_253 : vector<16xf32>
        %add3A_255 = arith.constant 20 : i32
        %add3A_256 = vector.broadcast %add3A_255 : i32 to vector<16xi32>
        %add3A_257 = arith.addi %mul3A_54, %add3A_256 : vector<16xi32>
        %gather3A_258 = tpu.vector_load_idx %arg12[%add3A_62, %add3A_257] : memref<256x128xf32, #tpu.memory_space<vmem>>[vector<16xi32>, vector<16xi32>], vector<16xf32>,
        %add3A_259 = arith.constant 20 : i32
        %add3A_260 = vector.broadcast %add3A_259 : i32 to vector<16xi32>
        %add3A_261 = arith.addi %mul3A_60, %add3A_260 : vector<16xi32>
        %gather3A_262 = tpu.vector_load_idx %arg13[%add3A_62, %add3A_261] : memref<256x128xf32, #tpu.memory_space<vmem>>[vector<16xi32>, vector<16xi32>], vector<16xf32>,
        %mul3A_263 = arith.mulf %gather3A_258, %gather3A_262 : vector<16xf32>
        %add3A_264 = arith.addf %add3A_254, %mul3A_263 : vector<16xf32>
        %add3A_265 = arith.constant 21 : i32
        %add3A_266 = vector.broadcast %add3A_265 : i32 to vector<16xi32>
        %add3A_267 = arith.addi %mul3A_54, %add3A_266 : vector<16xi32>
        %gather3A_268 = tpu.vector_load_idx %arg12[%add3A_62, %add3A_267] : memref<256x128xf32, #tpu.memory_space<vmem>>[vector<16xi32>, vector<16xi32>], vector<16xf32>,
        %add3A_269 = arith.constant 21 : i32
        %add3A_270 = vector.broadcast %add3A_269 : i32 to vector<16xi32>
        %add3A_271 = arith.addi %mul3A_60, %add3A_270 : vector<16xi32>
        %gather3A_272 = tpu.vector_load_idx %arg13[%add3A_62, %add3A_271] : memref<256x128xf32, #tpu.memory_space<vmem>>[vector<16xi32>, vector<16xi32>], vector<16xf32>,
        %mul3A_273 = arith.mulf %gather3A_268, %gather3A_272 : vector<16xf32>
        %add3A_274 = arith.addf %add3A_264, %mul3A_273 : vector<16xf32>
        %add3A_275 = arith.constant 22 : i32
        %add3A_276 = vector.broadcast %add3A_275 : i32 to vector<16xi32>
        %add3A_277 = arith.addi %mul3A_54, %add3A_276 : vector<16xi32>
        %gather3A_278 = tpu.vector_load_idx %arg12[%add3A_62, %add3A_277] : memref<256x128xf32, #tpu.memory_space<vmem>>[vector<16xi32>, vector<16xi32>], vector<16xf32>,
        %add3A_279 = arith.constant 22 : i32
        %add3A_280 = vector.broadcast %add3A_279 : i32 to vector<16xi32>
        %add3A_281 = arith.addi %mul3A_60, %add3A_280 : vector<16xi32>
        %gather3A_282 = tpu.vector_load_idx %arg13[%add3A_62, %add3A_281] : memref<256x128xf32, #tpu.memory_space<vmem>>[vector<16xi32>, vector<16xi32>], vector<16xf32>,
        %mul3A_283 = arith.mulf %gather3A_278, %gather3A_282 : vector<16xf32>
        %add3A_284 = arith.addf %add3A_274, %mul3A_283 : vector<16xf32>
        %add3A_285 = arith.constant 23 : i32
        %add3A_286 = vector.broadcast %add3A_285 : i32 to vector<16xi32>
        %add3A_287 = arith.addi %mul3A_54, %add3A_286 : vector<16xi32>
        %gather3A_288 = tpu.vector_load_idx %arg12[%add3A_62, %add3A_287] : memref<256x128xf32, #tpu.memory_space<vmem>>[vector<16xi32>, vector<16xi32>], vector<16xf32>,
        %add3A_289 = arith.constant 23 : i32
        %add3A_290 = vector.broadcast %add3A_289 : i32 to vector<16xi32>
        %add3A_291 = arith.addi %mul3A_60, %add3A_290 : vector<16xi32>
        %gather3A_292 = tpu.vector_load_idx %arg13[%add3A_62, %add3A_291] : memref<256x128xf32, #tpu.memory_space<vmem>>[vector<16xi32>, vector<16xi32>], vector<16xf32>,
        %mul3A_293 = arith.mulf %gather3A_288, %gather3A_292 : vector<16xf32>
        %add3A_294 = arith.addf %add3A_284, %mul3A_293 : vector<16xf32>
        %add3A_295 = arith.constant 24 : i32
        %add3A_296 = vector.broadcast %add3A_295 : i32 to vector<16xi32>
        %add3A_297 = arith.addi %mul3A_54, %add3A_296 : vector<16xi32>
        %gather3A_298 = tpu.vector_load_idx %arg12[%add3A_62, %add3A_297] : memref<256x128xf32, #tpu.memory_space<vmem>>[vector<16xi32>, vector<16xi32>], vector<16xf32>,
        %add3A_299 = arith.constant 24 : i32
        %add3A_300 = vector.broadcast %add3A_299 : i32 to vector<16xi32>
        %add3A_301 = arith.addi %mul3A_60, %add3A_300 : vector<16xi32>
        %gather3A_302 = tpu.vector_load_idx %arg13[%add3A_62, %add3A_301] : memref<256x128xf32, #tpu.memory_space<vmem>>[vector<16xi32>, vector<16xi32>], vector<16xf32>,
        %mul3A_303 = arith.mulf %gather3A_298, %gather3A_302 : vector<16xf32>
        %add3A_304 = arith.addf %add3A_294, %mul3A_303 : vector<16xf32>
        %add3A_305 = arith.constant 25 : i32
        %add3A_306 = vector.broadcast %add3A_305 : i32 to vector<16xi32>
        %add3A_307 = arith.addi %mul3A_54, %add3A_306 : vector<16xi32>
        %gather3A_308 = tpu.vector_load_idx %arg12[%add3A_62, %add3A_307] : memref<256x128xf32, #tpu.memory_space<vmem>>[vector<16xi32>, vector<16xi32>], vector<16xf32>,
        %add3A_309 = arith.constant 25 : i32
        %add3A_310 = vector.broadcast %add3A_309 : i32 to vector<16xi32>
        %add3A_311 = arith.addi %mul3A_60, %add3A_310 : vector<16xi32>
        %gather3A_312 = tpu.vector_load_idx %arg13[%add3A_62, %add3A_311] : memref<256x128xf32, #tpu.memory_space<vmem>>[vector<16xi32>, vector<16xi32>], vector<16xf32>,
        %mul3A_313 = arith.mulf %gather3A_308, %gather3A_312 : vector<16xf32>
        %add3A_314 = arith.addf %add3A_304, %mul3A_313 : vector<16xf32>
        %add3A_315 = arith.constant 26 : i32
        %add3A_316 = vector.broadcast %add3A_315 : i32 to vector<16xi32>
        %add3A_317 = arith.addi %mul3A_54, %add3A_316 : vector<16xi32>
        %gather3A_318 = tpu.vector_load_idx %arg12[%add3A_62, %add3A_317] : memref<256x128xf32, #tpu.memory_space<vmem>>[vector<16xi32>, vector<16xi32>], vector<16xf32>,
        %add3A_319 = arith.constant 26 : i32
        %add3A_320 = vector.broadcast %add3A_319 : i32 to vector<16xi32>
        %add3A_321 = arith.addi %mul3A_60, %add3A_320 : vector<16xi32>
        %gather3A_322 = tpu.vector_load_idx %arg13[%add3A_62, %add3A_321] : memref<256x128xf32, #tpu.memory_space<vmem>>[vector<16xi32>, vector<16xi32>], vector<16xf32>,
        %mul3A_323 = arith.mulf %gather3A_318, %gather3A_322 : vector<16xf32>
        %add3A_324 = arith.addf %add3A_314, %mul3A_323 : vector<16xf32>
        %add3A_325 = arith.constant 27 : i32
        %add3A_326 = vector.broadcast %add3A_325 : i32 to vector<16xi32>
        %add3A_327 = arith.addi %mul3A_54, %add3A_326 : vector<16xi32>
        %gather3A_328 = tpu.vector_load_idx %arg12[%add3A_62, %add3A_327] : memref<256x128xf32, #tpu.memory_space<vmem>>[vector<16xi32>, vector<16xi32>], vector<16xf32>,
        %add3A_329 = arith.constant 27 : i32
        %add3A_330 = vector.broadcast %add3A_329 : i32 to vector<16xi32>
        %add3A_331 = arith.addi %mul3A_60, %add3A_330 : vector<16xi32>
        %gather3A_332 = tpu.vector_load_idx %arg13[%add3A_62, %add3A_331] : memref<256x128xf32, #tpu.memory_space<vmem>>[vector<16xi32>, vector<16xi32>], vector<16xf32>,
        %mul3A_333 = arith.mulf %gather3A_328, %gather3A_332 : vector<16xf32>
        %add3A_334 = arith.addf %add3A_324, %mul3A_333 : vector<16xf32>
        %add3A_335 = arith.constant 28 : i32
        %add3A_336 = vector.broadcast %add3A_335 : i32 to vector<16xi32>
        %add3A_337 = arith.addi %mul3A_54, %add3A_336 : vector<16xi32>
        %gather3A_338 = tpu.vector_load_idx %arg12[%add3A_62, %add3A_337] : memref<256x128xf32, #tpu.memory_space<vmem>>[vector<16xi32>, vector<16xi32>], vector<16xf32>,
        %add3A_339 = arith.constant 28 : i32
        %add3A_340 = vector.broadcast %add3A_339 : i32 to vector<16xi32>
        %add3A_341 = arith.addi %mul3A_60, %add3A_340 : vector<16xi32>
        %gather3A_342 = tpu.vector_load_idx %arg13[%add3A_62, %add3A_341] : memref<256x128xf32, #tpu.memory_space<vmem>>[vector<16xi32>, vector<16xi32>], vector<16xf32>,
        %mul3A_343 = arith.mulf %gather3A_338, %gather3A_342 : vector<16xf32>
        %add3A_344 = arith.addf %add3A_334, %mul3A_343 : vector<16xf32>
        %add3A_345 = arith.constant 29 : i32
        %add3A_346 = vector.broadcast %add3A_345 : i32 to vector<16xi32>
        %add3A_347 = arith.addi %mul3A_54, %add3A_346 : vector<16xi32>
        %gather3A_348 = tpu.vector_load_idx %arg12[%add3A_62, %add3A_347] : memref<256x128xf32, #tpu.memory_space<vmem>>[vector<16xi32>, vector<16xi32>], vector<16xf32>,
        %add3A_349 = arith.constant 29 : i32
        %add3A_350 = vector.broadcast %add3A_349 : i32 to vector<16xi32>
        %add3A_351 = arith.addi %mul3A_60, %add3A_350 : vector<16xi32>
        %gather3A_352 = tpu.vector_load_idx %arg13[%add3A_62, %add3A_351] : memref<256x128xf32, #tpu.memory_space<vmem>>[vector<16xi32>, vector<16xi32>], vector<16xf32>,
        %mul3A_353 = arith.mulf %gather3A_348, %gather3A_352 : vector<16xf32>
        %add3A_354 = arith.addf %add3A_344, %mul3A_353 : vector<16xf32>
        %add3A_355 = arith.constant 30 : i32
        %add3A_356 = vector.broadcast %add3A_355 : i32 to vector<16xi32>
        %add3A_357 = arith.addi %mul3A_54, %add3A_356 : vector<16xi32>
        %gather3A_358 = tpu.vector_load_idx %arg12[%add3A_62, %add3A_357] : memref<256x128xf32, #tpu.memory_space<vmem>>[vector<16xi32>, vector<16xi32>], vector<16xf32>,
        %add3A_359 = arith.constant 30 : i32
        %add3A_360 = vector.broadcast %add3A_359 : i32 to vector<16xi32>
        %add3A_361 = arith.addi %mul3A_60, %add3A_360 : vector<16xi32>
        %gather3A_362 = tpu.vector_load_idx %arg13[%add3A_62, %add3A_361] : memref<256x128xf32, #tpu.memory_space<vmem>>[vector<16xi32>, vector<16xi32>], vector<16xf32>,
        %mul3A_363 = arith.mulf %gather3A_358, %gather3A_362 : vector<16xf32>
        %add3A_364 = arith.addf %add3A_354, %mul3A_363 : vector<16xf32>
        %add3A_365 = arith.constant 31 : i32
        %add3A_366 = vector.broadcast %add3A_365 : i32 to vector<16xi32>
        %add3A_367 = arith.addi %mul3A_54, %add3A_366 : vector<16xi32>
        %gather3A_368 = tpu.vector_load_idx %arg12[%add3A_62, %add3A_367] : memref<256x128xf32, #tpu.memory_space<vmem>>[vector<16xi32>, vector<16xi32>], vector<16xf32>,
        %add3A_369 = arith.constant 31 : i32
        %add3A_370 = vector.broadcast %add3A_369 : i32 to vector<16xi32>
        %add3A_371 = arith.addi %mul3A_60, %add3A_370 : vector<16xi32>
        %gather3A_372 = tpu.vector_load_idx %arg13[%add3A_62, %add3A_371] : memref<256x128xf32, #tpu.memory_space<vmem>>[vector<16xi32>, vector<16xi32>], vector<16xf32>,
        %mul3A_373 = arith.mulf %gather3A_368, %gather3A_372 : vector<16xf32>
        %add3A_374 = arith.addf %add3A_364, %mul3A_373 : vector<16xf32>
        %mul3A_375 = arith.mulf %add3A_374, %get3A_5 : vector<16xf32>
        %add3A_376 = arith.addf %mul3A_375, %get3A_9 : vector<16xf32>
        %neg3A = arith.constant 0.000000e+00 : f32
        %neg3A_377 = vector.broadcast %neg3A : f32 to vector<16xf32>
        %neg3A_378 = arith.subf %neg3A_377, %add3A_376 : vector<16xf32>
        %exp3A = math.exp %neg3A_378 : vector<16xf32>
        %add3A_379 = arith.constant 1.000000e+00 : f32
        %add3A_380 = vector.broadcast %add3A_379 : f32 to vector<16xf32>
        %add3A_381 = arith.addf %add3A_380, %exp3A : vector<16xf32>
        %div3A = arith.constant 1.000000e+00 : f32
        %div3A_382 = vector.broadcast %div3A : f32 to vector<16xf32>
        %div3A_383 = arith.divf %div3A_382, %add3A_381 : vector<16xf32>
        %add3A_384 = arith.addi %add3A_18, %add3A_43 : i32
        %swap3A = arith.index_cast %add3A_384 : i32 to index
        %swap3A_385 = tpu.vector_load %arg15[%swap3A] {strides = array<i32>} : memref<512xf32, #tpu.memory_space<vmem>>, vector<16xf32>,
        tpu.vector_store %arg15[%swap3A], %div3A_383 {strides = array<i32>} : memref<512xf32, #tpu.memory_space<vmem>>, vector<16xf32>,
      }
      %scan3A_38 = arith.constant 16 : i32
    }
    %scan3A_13 = arith.constant 2 : i32
    "tpu.region"() ({
      %run_scoped3A = tpu.sem_alloc : memref<!tpu.dma_semaphore, #tpu.memory_space<semaphore_mem>>
      %dma_start3A = tpu.memref_slice %arg7[%mul3A_2] : memref<16384xf32, #tpu.memory_space<hbm>> -> memref<512xf32, #tpu.memory_space<hbm>>
      %dma_start3A_14 = tpu.memref_slice %arg7[%mul3A_2] : memref<16384xf32, #tpu.memory_space<hbm>> -> memref<512xf32, #tpu.memory_space<hbm>>
      tpu.enqueue_dma source(%arg15 : memref<512xf32, #tpu.memory_space<vmem>>) target(%dma_start3A_14 : memref<512xf32, #tpu.memory_space<hbm>>) target_semaphore(%run_scoped3A : memref<!tpu.dma_semaphore, #tpu.memory_space<semaphore_mem>>)
      %dma_wait3A = tpu.memref_slice %arg7[%mul3A_2] : memref<16384xf32, #tpu.memory_space<hbm>> -> memref<512xf32, #tpu.memory_space<hbm>>
      %dma_wait3A_15 = tpu.memref_slice %arg7[%mul3A_2] : memref<16384xf32, #tpu.memory_space<hbm>> -> memref<512xf32, #tpu.memory_space<hbm>>
      tpu.wait_dma2 semaphore(%run_scoped3A : memref<!tpu.dma_semaphore, #tpu.memory_space<semaphore_mem>>) src(%arg15 : memref<512xf32, #tpu.memory_space<vmem>>) dst(%dma_wait3A_15 : memref<512xf32, #tpu.memory_space<hbm>>)
      tpu.yield
    }) : () -> ()
    return
  }
}

</mosaic_0001>

<sc_bundles>
// kernel: kernel.3.cloned.1.call-start
scs
__scs_entry_jumppad:
0x0: {  	(pc) =	sbr.rel $0x88, $3  }
0x1: {  	(tag) =	ssettag $0x0;
	lr =	simm.s32 $0x1  }
0x2: {  	[smem:$0x3F9B] =	sst lr;
	_ =	strace $0xD0000000  }
0x3: {  	_ = 	snop  }
0x4: {  	_ = 	snop  }
0x5: {  	_ = 	snop  }
0x6: {  	_ = 	snop  }
0x7: {  	_ = 	snop  }
__scs_overlays_trampoline_lowered:
0x8: {  	[smem:$0x3FAA] =	sst s0  }
0x9: {  	[smem:$0x3FAB] =	sst s1  }
0xa: {  	[smem:$0x3FAC] =	sst s2  }
0xb: {  	[smem:$0x3FAD] =	sst s3  }
0xc: {  	[smem:$0x3FAE] =	sst s4  }
0xd: {  	[smem:$0x3FAF] =	sst s5  }
0xe: {  	[smem:$0x3FB0] =	sst s6  }
0xf: {  	[smem:$0x3FB1] =	sst s7  }
0x10: {  	[smem:$0x3FB2] =	sst s8  }
0x11: {  	[smem:$0x3FB3] =	sst s9;
	s0 =	simm.s32 @!p0 $0x0  }
0x12: {  	s1 =	sld [smem:$0x3F99];
	s0 =	simm.s32 @p0 $0x1  }
0x13: {  	[smem:$0x3FB4] =	sst s0;
	s0 =	simm.s32 @!p1 $0x0  }
0x14: {  	s2 =	sld [smem:$0x3F98];
	s0 =	simm.s32 @p1 $0x1  }
0x15: {  	[smem:$0x3FB5] =	sst s0;
	s0 =	simm.s32 @!p2 $0x0  }
0x16: {  	s3 =	sld [smem:$0x3FDB];
	s0 =	simm.s32 @p2 $0x1  }
0x17: {  	s4 =	simm.s32 $0x1BF5;
	[smem:$0x3FB7] =	sst s0  }
0x18: {  	s0 =	sld [smem:$0x3F9A];
	_ =	swait.ge [sflag:s4], $0x0  }
0x19: {  	s7 =	sld [smem:$0x3F9B]  }
0x1a: {  	s8 =	sadd.s32 $0xFFFFE003, lr  }
0x1b: {  	s9 =	sadd.s32 $0xFFFFFEF7, lr;
	s5 =	simm.s32 $0xFFFFFFFF;
	p2 =	slt.u32 s8, $0xFFFFF086  }
0x1c: {  	p1 =	slt.u32 s9, $0xF7A;
	s5 =	simm.s32 @!p2 $0x0  }
0x1d: {  	s5 =	simm.s32 @p1 $0x1;
	p0 =	seq.s32 s7, s2  }
0x1e: {  	s7 =	smul.u32 @!p0 $0xF7A, s2;
	p2 =	seq.s32 @!p0 s5, $0x0  }
0x1f: {  	s9 =	smul.u32 $0xF7A, s1;
	s8 =	simm.s32 @!p0 $0x1BF5;
	p2 =	por !p2, p0  }
0x20: {  	[sflag:s8] =	ssyncset.s32 @!p0 $0xFFFFF086;
	s6 =	sadd.s32 @!p0 s3, s7;
	s7 =	simm.s32 @!p0 $0x108  }
0x21: {  	s3 =	sadd.s32 s3, s9;
	s6 =	sadd.s32 @!p0 $0x88, s6;
	s7 =	simm.s32 @p2 $0x1082  }
0x22: {  	[simem:s7], [sflag:s8] =	dma.local @!p0 [hbm:s6], $0xF7A  }
0x23: {  	s9 =	sor.u32 $0xD0000000, s2;
	s6 =	simm.s32 $0x108;
	_ =	swait.ge @!p0 [sflag:s8], $0x0  }
0x24: {  	s3 =	sadd.s32 $0x88, s3;
	s6 =	simm.s32 @!p1 $0x1082;
	[sflag:s4] =	ssyncset.s32 $0xFFFFF086  }
0x25: {  	[simem:s6], [sflag:s4] =	dma.local [hbm:s3], $0xF7A  }
0x26: {  	[smem:$0x3F9B] =	sst s1;
	(tag) =	ssettag s2;
	_ =	strace s9  }
0x27: {  	s1 =	sld [smem:$0x3FAB]  }
0x28: {  	s2 =	sld [smem:$0x3FAC]  }
0x29: {  	s4 =	sld [smem:$0x3FAE]  }
0x2a: {  	p0 =	seq.s32 s5, $0x0;
	s5 =	sld [smem:$0x3FAF]  }
0x2b: {  	s6 =	sld [smem:$0x3FB0]  }
0x2c: {  	s7 =	sld [smem:$0x3FB1]  }
0x2d: {  	s3 =	simm.s32 $0x108;
	s8 =	sld [smem:$0x3FB2]  }
0x2e: {  	s3 =	simm.s32 @!p0 $0x1082;
	s9 =	sld [smem:$0x3FB3]  }
0x2f: {  	lr =	sadd.s32 s0, s3;
	s0 =	sld [smem:$0x3FAA]  }
0x30: {  	s3 =	sld [smem:$0x3FAD]  }
0x31: {  	[smem:$0x3FB6] =	sst s10  }
0x32: {  	s10 =	sld [smem:$0x3FB4];
	_ =	sdelay $0x3  }
0x33: {  	p0 =	seq.s32 s10, $0x1;
	s10 =	sld [smem:$0x3FB6];
	_ =	sdelay $0x3  }
0x34: {  	[smem:$0x3FB6] =	sst s10  }
0x35: {  	s10 =	sld [smem:$0x3FB5];
	_ =	sdelay $0x3  }
0x36: {  	p1 =	seq.s32 s10, $0x1;
	s10 =	sld [smem:$0x3FB6];
	_ =	sdelay $0x3  }
0x37: {  	[smem:$0x3FB6] =	sst s10  }
0x38: {  	s10 =	sld [smem:$0x3FB7]  }
0x39: {  	_ = 	snop;
	(pc) =	sbr.ind lr, $3  }
0x3a: {  	_ = 	snop  }
0x3b: {  	_ = 	snop  }
0x3c: {  	p2 =	seq.s32 s10, $0x1;
	s10 =	sld [smem:$0x3FB6]  }
0x3d: {  	_ =	shalt  }
0x3e: {  	_ =	shalt  }
0x3f: {  	_ =	shalt  }
0x40: {  	_ =	shalt  }
0x41: {  	_ =	shalt  }
0x42: {  	_ =	shalt  }
0x43: {  	_ =	shalt  }
0x44: {  	_ =	shalt  }
0x45: {  	_ =	shalt  }
0x46: {  	_ =	shalt  }
0x47: {  	_ =	shalt  }
0x48: {  	_ =	shalt  }
0x49: {  	_ =	shalt  }
0x4a: {  	_ =	shalt  }
0x4b: {  	_ =	shalt  }
0x4c: {  	_ =	shalt  }
0x4d: {  	_ =	shalt  }
0x4e: {  	_ =	shalt  }
0x4f: {  	_ =	shalt  }
0x50: {  	_ =	shalt  }
0x51: {  	_ =	shalt  }
0x52: {  	_ =	shalt  }
0x53: {  	_ =	shalt  }
0x54: {  	_ =	shalt  }
0x55: {  	_ =	shalt  }
0x56: {  	_ =	shalt  }
0x57: {  	_ =	shalt  }
0x58: {  	_ =	shalt  }
0x59: {  	_ =	shalt  }
0x5a: {  	_ =	shalt  }
0x5b: {  	_ =	shalt  }
0x5c: {  	_ =	shalt  }
0x5d: {  	_ =	shalt  }
0x5e: {  	_ =	shalt  }
0x5f: {  	_ =	shalt  }
0x60: {  	_ =	shalt  }
0x61: {  	_ =	shalt  }
0x62: {  	_ =	shalt  }
0x63: {  	_ =	shalt  }
0x64: {  	_ =	shalt  }
0x65: {  	_ =	shalt  }
0x66: {  	_ =	shalt  }
0x67: {  	_ =	shalt  }
0x68: {  	_ =	shalt  }
0x69: {  	_ =	shalt  }
0x6a: {  	_ =	shalt  }
0x6b: {  	_ =	shalt  }
0x6c: {  	_ =	shalt  }
0x6d: {  	_ =	shalt  }
0x6e: {  	_ =	shalt  }
0x6f: {  	_ =	shalt  }
0x70: {  	_ =	shalt  }
0x71: {  	_ =	shalt  }
0x72: {  	_ =	shalt  }
0x73: {  	_ =	shalt  }
0x74: {  	_ =	shalt  }
0x75: {  	_ =	shalt  }
0x76: {  	_ =	shalt  }
0x77: {  	_ =	shalt  }
0x78: {  	_ =	shalt  }
0x79: {  	_ =	shalt  }
0x7a: {  	_ =	shalt  }
0x7b: {  	_ =	shalt  }
0x7c: {  	_ =	shalt  }
0x7d: {  	_ =	shalt  }
0x7e: {  	_ =	shalt  }
0x7f: {  	_ =	shalt  }
0x80: {  	_ =	shalt  }
0x81: {  	_ =	shalt  }
0x82: {  	_ =	shalt  }
0x83: {  	_ =	shalt  }
0x84: {  	_ =	shalt  }
0x85: {  	_ =	shalt  }
0x86: {  	_ =	shalt  }
0x87: {  	_ =	shalt  }
.Lfunc_end0:
.L_simem_size_0:
called_computation_lowered:
.L_overlay_start_0:
0x88: {  	s2 =	sld [smem:$0x3FD9]  }
0x89: {  	s3 =	sld [smem:$0x3FFE];
	_ =	sdelay $0x1  }
0x8a: {  	s1 =	srdreg.scid  }
0x8b: {  	s0 =	sand.u32 $0x1, s1  }
0x8c: {  	s17 =	sshll.u32 s0, $0xA;
	s2 =	sadd.s32 s3, s2  }
0x8d: {  	s2 =	sadd.s32 s2, s17  }
0x8e: {  	[smem:$0x3FC2] =	sst s2  }
0x8f: {  	_ = 	snop  }
0x90: {  	s2 =	sld [smem:$0x3FC9]  }
0x91: {  	s18 =	sld [smem:$0x3FC8]  }
0x92: {  	s4 =	sld [smem:$0x3FD0];
	(tm) =	ssettm $0x1  }
0x93: {  	s5 =	sld [smem:$0x3FFB];
	_ =	sdelay $0x3  }
0x94: {  	_ =	strace s5  }
0x95: {  	s5 =	sld [smem:$0x3FFC];
	_ =	sdelay $0x3  }
0x96: {  	_ =	strace s5  }
0x97: {  	s5 =	sld [smem:$0x3FFD];
	_ =	sdelay $0x3  }
0x98: {  	_ =	strace s5  }
0x99: {  	_ =	strace $0x8FFFFFFF  }
0x9a: {  	s19 =	sld [smem:$0x3FDB];
	_ =	sdelay $0x1  }
0x9b: {  	s6 =	simm.s32 $_scs_section_size  }
0x9c: {  	s7 =	simm.s32 $_size__tile_overlayer_lowered;
	s8 =	simm.s32 $_tile_overlayer_lowered  }
0x9d: {  	s22 =	simm.s32 $0x1BFF;
	s21 =	sshll.u32 s8, $0x1;
	s5 =	sadd.s32 s6, s19  }
0x9e: {  	s9 =	simm.s32 $0x0;
	s20 =	sshll.u32 s7, $0x1;
	s7 =	sadd.s32 s21, s5  }
0x9f: {  	[timem:s9], [sflag:s22] =	dma.local [hbm:s7], s20  }
0xa0: {  	_ =	swait.ge [sflag:s22], s20  }
0xa1: {  	s6 =	ssub.s32 $0x0, s20;
	[sflag:s22] =	ssyncset.done $0x0  }
0xa2: {  	[sflag:s22] =	ssyncadd.s32 s6;
	_ =	sdelay $0x1  }
0xa3: {  	s23 =	simm.s32 $0x1B8B  }
0xa4: {  	_ =	swait.ge [sflag:s23], $0x1  }
0xa5: {  	[sflag:s23] =	ssyncset.done $0x0  }
0xa6: {  	s25 =	simm.s32 $0x1B8E;
	s24 =	sld [smem:$0x3FFE];
	[sflag:s23] =	ssyncadd.s32 $0xFFFFFFFF  }
0xa7: {  	s26 =	simm.s32 $execute0_lowered;
	[smem:$0x3FD2] =	sst s25  }
0xa8: {  	s7 =	sshll.u32 s26, $0x1;
	_ =	strace $0x80000046;
	[dreg:$0x1] =	wrdreg $0xFFFFFFFF  }
0xa9: {  	s28 =	simm.s32 $_size_execute0_lowered;
	s5 =	sadd.s32 s5, s7;
	[dreg:$0x0] =	wrdreg $0x0  }
0xaa: {  	s7 =	sshll.u32 s28, $0x1;
	[dreg:$0x2] =	wrdreg s5  }
0xab: {  	[dreg:$0x3] =	wrdreg s7  }
0xac: {  	[dreg:$0x4] =	wrdreg $0xC0  }
0xad: {  	_ =	task [dreg:s9], $0x5FFFF  }
0xae: {  	[dreg:$0x1] =	wrdreg $0xFFFFFFFF  }
0xaf: {  	[dreg:$0x0] =	wrdreg $0x60  }
0xb0: {  	[dreg:$0x2] =	wrdreg s2  }
0xb1: {  	[dreg:$0x3] =	wrdreg s18  }
0xb2: {  	[dreg:$0x4] =	wrdreg s24  }
0xb3: {  	[dreg:$0x5] =	wrdreg s4  }
0xb4: {  	[dreg:$0x6] =	wrdreg $0x9  }
0xb5: {  	_ =	task.clear_ibuf [dreg:s9], $0x7FFFF;
	_ =	strace $0x90000046  }
0xb6: {  	s29 =	simm.s32 $0x9;
	_ =	strace $0x80000048  }
0xb7: {  	_ =	swait.ge [sflag:s29], $0x1  }
0xb8: {  	[sflag:s29] =	ssyncadd.s32 $0xFFFFFFFF  }
0xb9: {  	_ =	strace $0x90000048  }
0xba: {  	_ =	sfence  }
0xbb: {  	s30 =	sld [smem:$0x0];
	_ =	sdelay $0x2  }
0xbc: {  	s31 =	sshll.u32 s1, $0xD;
	s1 =	sshrl.u32 s1, $0x2  }
0xbd: {  	s3 =	sand.u32 $0x4000, s31;
	s1 =	sadd.s32 s1, s30  }
0xbe: {  	s0 =	sor.u32 s3, s0;
	s1 =	sshll.u32 s1, $0x11  }
0xbf: {  	s0 =	sor.u32 s1, s0  }
0xc0: {  	s0 =	sadd.s32 $0x8F2B, s0  }
0xc1: {  	[sflag:s0] =	ssyncadd.remote.s32 $0x1  }
0xc2: {  	_ =	sfence.sel $0xFFFF  }
0xc3: {  	[dreg:$0x0] =	wrdreg $0xFFFFFFFF;
	(pc) =	sbr.abs _section_cstart, $3  }
0xc4: {  	[dreg:$0x1] =	wrdreg $0xFFFFFFFF  }
0xc5: {  	_ =	task.clear_ibuf [dreg:s9], $0x2FFFF;
	_ =	strace $0x9FFFFFFF  }
0xc6: {  	(tm) =	ssettm $0x7FFFFFFF  }
0xc7: {  	_ =	shalt  }
tec
execute0_lowered:
.L_overlay_start_1:
0x0: {  	(tag) =	ssettag $0x1  }
0x1: {  	s6 =	rddreg [dreg:$0x0]  }
0x2: {  	s7 =	rddreg [dreg:$0x1]  }
0x3: {  	s5 =	rddreg [dreg:$0x2]  }
0x4: {  	s8 =	rddreg [dreg:$0x3]  }
0x5: {  	s0 =	rddreg [dreg:$0x4];
	s1 =	simm.s32 $0x0  }
0x6: {  	s4 =	srdreg.scid;
	s2 =	stileid.u32;
	s13 =	simm.s32 $0x100  }
0x7: {  	s14 =	simm.s32 $0x400;
	s15 =	simm.s32 $0x600;
	s16 =	simm.s32 $0x500  }
0x8: {  	s17 =	simm.s32 $0x8600;
	s18 =	simm.s32 $0x1;
	s19 =	simm.s32 $0x2  }
0x9: {  	s20 =	simm.s32 $0x10700;
	s21 =	simm.s32 $0x0;
	[smem:$0x7FF] =	sst s1  }
0xa: {  	s3 =	sadd.s32 $0xF42A00, s5;
	s4 =	sand.u32 $0x1, s4;
	s10 =	sshll.u32 s2, $0x7  }
0xb: {  	_ =	strace $0x80000047;
	s9 =	ssub.s32 $0x2, s4;
	s11 =	sshll.u32 s4, $0x6  }
0xc: {  	s4 =	sadd.s32 $0x187000, s5;
	s5 =	sadd.s32 $0x600, s5;
	s12 =	sshrl.u32 s9, $0x1  }
0xd: {  	s10 =	sor.u32 s11, s10;
	s11 =	simm.s32 $0x200;
	s9 =	ssub.s32 s9, s12  }
0xe: {  	v0 =	vlaneseq.u32;
	s6 =	sadd.s32 s6, s10;
	s7 =	sadd.s32 s7, s10;
	s8 =	sadd.s32 s8, s10  }
0xf: {  	v0 =	vmul.u32 $0x80, v0;
	s10 =	simm.s32 $0x3;
	s12 =	simm.s32 $0x10600;
	s9 =	smax.u32 s9, $0x1  }
.LBB2_1:
0x10: {  	[tilespmem:s1], [sflag:$0x3] =	stream.linear.gather [hbm4b:s6+s1], $0x200, $0x38;
	[tilespmem:$0x10900] =	vst v63  }
0x11: {  	_ =	swait.ge [sflag:s10], $0x200  }
0x12: {  	[sflag:s10] =	ssyncset.done $0x0  }
0x13: {  	[sflag:s10] =	ssyncadd.s32 $0xFFFFFE00  }
0x14: {  	[tilespmem:s11], [sflag:$0x3] =	stream.linear.gather [hbm4b:s7+s1], $0x200, $0x38;
	[tilespmem:$0x10900] =	vst v63  }
0x15: {  	_ =	swait.ge [sflag:s10], $0x200  }
0x16: {  	[sflag:s10] =	ssyncset.done $0x0  }
0x17: {  	[sflag:s10] =	ssyncadd.s32 $0xFFFFFE00  }
0x18: {  	[tilespmem:s12], [sflag:$0x3] =	stream.linear.gather [hbm4b:s5+s1], $0x100, $0x38;
	[tilespmem:$0x10900] =	vst v63  }
0x19: {  	_ =	swait.ge [sflag:s10], $0x100  }
0x1a: {  	[sflag:s10] =	ssyncset.done $0x0  }
0x1b: {  	[sflag:s10] =	ssyncadd.s32 $0xFFFFFF00  }
0x1c: {  	v1 =	vld [tilespmem:$0x10600]  }
0x1d: {  	p1 =	por $0x1, $0x1;
	s22 =	simm.s32 $0x0;
	v2 =	vld [tilespmem:$0x10680]  }
.LBB2_2:
0x1e: {  	s22 =	sshll.u32 s22, $0x2  }
0x1f: {  	s23 =	sshra.s32 s22, $0x2  }
0x20: {  	v3 =	vmov s23;
	s24 =	sadd.s32 $0x200, s23  }
0x21: {  	v4 =	vmov s24;
	_ =	sdelay $0x2  }
0x22: {  	s22 =	simm.s32 $0x0  }
0x23: {  	v6 =	vld.idx.msk [tilespmem:v3+s22+$0x0 ss:$0x1], $0xffff  }
0x24: {  	v5 =	vld.idx.msk [tilespmem:v4+s22+$0x0 ss:$0x1], $0xffff;
	_ =	sdelay $0x3  }
0x25: {  	p0 =	por p1, p1;
	s25 =	simm.s32 $0x40;
	v6 =	vshrl.u32 v6, $0x2  }
.LBB2_3:
0x26: {  	p1 =	sne.s32 s25, $0x3C0;
	[tilespmem:s22+$0x400] =	vst v6;
	v5 =	vshrl.u32 v5, $0x2;
	s26 =	smov.u32 s25;
	s25 =	sadd.s32 $0x40, s25  }
0x27: {  	[tilespmem:s22+$0x500] =	vst v5;
	s22 =	sshra.s32 s26, $0x2  }
0x28: {  	v6 =	vld.idx.msk [tilespmem:v3+s22+$0x0 ss:$0x1], $0xffff  }
0x29: {  	v5 =	vld.idx.msk [tilespmem:v4+s22+$0x0 ss:$0x1], $0xffff  }
.Ltmp0:
0x2a: {  	(pc) =	sbr.rel @p1 .LBB2_3-.Ltmp0, $2  }
0x2b: {  	_ =	sdelay $0x2  }
0x2c: {  	v6 =	vshrl.u32 v6, $0x2  }
0x2d: {  	[tilespmem:s22+$0x400] =	vst v6;
	v3 =	vshrl.u32 v5, $0x2  }
0x2e: {  	[tilespmem:s22+$0x500] =	vst v3  }
0x2f: {  	[tilespmem:s15], [sflag:$0x1] =	stream.indirect.gather [hbm4b:s3+s13], $0x80, s14, s13, $0xb8;
	[tilespmem:$0x10900] =	vst v63  }
0x30: {  	_ = 	snop  }
0x31: {  	[tilespmem:s17], [sflag:$0x2] =	stream.indirect.gather [hbm4b:s4+s13], $0x80, s16, s13, $0xb8;
	[tilespmem:$0x10900] =	vst v63  }
0x32: {  	_ =	swait.ge [sflag:s18], $0x8000  }
0x33: {  	[sflag:s18] =	ssyncset.done $0x0  }
0x34: {  	[sflag:s18] =	ssyncadd.s32 $0xFFFF8000  }
0x35: {  	_ =	swait.ge [sflag:s19], $0x8000  }
0x36: {  	[sflag:s19] =	ssyncset.done $0x0  }
0x37: {  	[sflag:s19] =	ssyncadd.s32 $0xFFFF8000  }
0x38: {  	v3 =	vld [tilespmem:s23+$0x0]  }
0x39: {  	v4 =	vld [tilespmem:s24+$0x0];
	_ =	sdelay $0x1  }
0x3a: {  	s31 =	simm.s32 $0x0  }
0x3b: {  	v5 =	vmov s31  }
0x3c: {  	v5 =	vshll.u32 v5, $0x7;
	v3 =	vshll.u32 v3, $0x5  }
0x3d: {  	v5 =	vor.u32 v0, v5;
	v4 =	vshll.u32 v4, $0x5;
	v3 =	vand.u32 $0x60, v3  }
0x3e: {  	v4 =	vand.u32 $0x60, v4;
	v3 =	vor.u32 v5, v3  }
0x3f: {  	v4 =	vor.u32 v5, v4  }
0x40: {  	v6 =	vor.u32 $0x1, v3  }
0x41: {  	v5 =	vor.u32 $0x1, v4  }
0x42: {  	v7 =	vor.u32 $0x2, v3  }
0x43: {  	v9 =	vor.u32 $0x2, v4;
	v8 =	vld.idx.msk [tilespmem:v3+s15+$0x0], $0xffff  }
0x44: {  	v10 =	vor.u32 $0x3, v3;
	v11 =	vld.idx.msk [tilespmem:v4+s17+$0x0], $0xffff  }
0x45: {  	v12 =	vor.u32 $0x3, v4;
	v6 =	vld.idx.msk [tilespmem:v6+s15+$0x0], $0xffff  }
0x46: {  	v13 =	vor.u32 $0x4, v3;
	v5 =	vld.idx.msk [tilespmem:v5+s17+$0x0], $0xffff  }
0x47: {  	v14 =	vor.u32 $0x4, v4;
	v7 =	vld.idx.msk [tilespmem:v7+s15+$0x0], $0xffff  }
0x48: {  	v15 =	vor.u32 $0x5, v3;
	v9 =	vld.idx.msk [tilespmem:v9+s17+$0x0], $0xffff  }
0x49: {  	v16 =	vor.u32 $0x5, v4;
	v10 =	vld.idx.msk [tilespmem:v10+s15+$0x0], $0xffff  }
0x4a: {  	v17 =	vor.u32 $0x6, v3;
	v12 =	vld.idx.msk [tilespmem:v12+s17+$0x0], $0xffff  }
0x4b: {  	v18 =	vor.u32 $0x6, v4;
	v13 =	vld.idx.msk [tilespmem:v13+s15+$0x0], $0xffff;
	v8 =	vmul.f32 v11, v8;
	v5 =	vmul.f32 v5, v6  }
0x4c: {  	v38 =	vor.u32 $0x7, v3;
	v6 =	vld.idx.msk [tilespmem:v14+s17+$0x0], $0xffff  }
0x4d: {  	v40 =	vor.u32 $0x7, v4;
	v39 =	vld.idx.msk [tilespmem:v15+s15+$0x0], $0xffff;
	v7 =	vmul.f32 v9, v7;
	v5 =	vadd.f32 v5, v8  }
0x4e: {  	v44 =	vor.u32 $0x8, v4;
	v41 =	vld.idx.msk [tilespmem:v16+s17+$0x0], $0xffff  }
0x4f: {  	v42 =	vor.u32 $0x8, v3;
	v43 =	vld.idx.msk [tilespmem:v17+s15+$0x0], $0xffff;
	v5 =	vadd.f32 v7, v5;
	v7 =	vmul.f32 v12, v10  }
0x50: {  	v47 =	vor.u32 $0x9, v4;
	v45 =	vld.idx.msk [tilespmem:v18+s17+$0x0], $0xffff  }
0x51: {  	v46 =	vor.u32 $0x9, v3;
	v11 =	vld.idx.msk [tilespmem:v38+s15+$0x0], $0xffff;
	v6 =	vmul.f32 v6, v13;
	v5 =	vadd.f32 v7, v5  }
0x52: {  	v48 =	vor.u32 $0xA, v3;
	v7 =	vld.idx.msk [tilespmem:v40+s17+$0x0], $0xffff  }
0x53: {  	v49 =	vor.u32 $0xA, v4;
	v50 =	vld.idx.msk [tilespmem:v44+s17+$0x0], $0xffff;
	v5 =	vadd.f32 v6, v5;
	v6 =	vmul.f32 v41, v39  }
0x54: {  	v52 =	vor.u32 $0xB, v4;
	v9 =	vld.idx.msk [tilespmem:v42+s15+$0x0], $0xffff  }
0x55: {  	v51 =	vor.u32 $0xB, v3;
	v53 =	vld.idx.msk [tilespmem:v47+s17+$0x0], $0xffff;
	v5 =	vadd.f32 v6, v5;
	v6 =	vmul.f32 v45, v43  }
0x56: {  	v54 =	vor.u32 $0xC, v3;
	v12 =	vld.idx.msk [tilespmem:v46+s15+$0x0], $0xffff  }
0x57: {  	v55 =	vor.u32 $0xC, v4;
	v13 =	vld.idx.msk [tilespmem:v48+s15+$0x0], $0xffff;
	v5 =	vadd.f32 v6, v5;
	v6 =	vmul.f32 v7, v11  }
0x58: {  	v56 =	vor.u32 $0xD, v3;
	v7 =	vld.idx.msk [tilespmem:v49+s17+$0x0], $0xffff  }
0x59: {  	v57 =	vor.u32 $0xD, v4;
	v58 =	vld.idx.msk [tilespmem:v52+s17+$0x0], $0xffff;
	v5 =	vadd.f32 v6, v5;
	v6 =	vmul.f32 v50, v9  }
0x5a: {  	v60 =	vor.u32 $0xE, v4;
	v14 =	vld.idx.msk [tilespmem:v51+s15+$0x0], $0xffff  }
0x5b: {  	v59 =	vor.u32 $0xE, v3;
	v16 =	vld.idx.msk [tilespmem:v54+s15+$0x0], $0xffff;
	v5 =	vadd.f32 v6, v5;
	v6 =	vmul.f32 v53, v12  }
0x5c: {  	v63 =	vor.u32 $0xF, v4;
	v61 =	vld.idx.msk [tilespmem:v55+s17+$0x0], $0xffff  }
0x5d: {  	v62 =	vor.u32 $0xF, v3;
	v11 =	vld.idx.msk [tilespmem:v56+s15+$0x0], $0xffff;
	v5 =	vadd.f32 v6, v5;
	v6 =	vmul.f32 v7, v13  }
0x5e: {  	v20 =	vor.u32 $0x10, v3;
	v7 =	vld.idx.msk [tilespmem:v57+s17+$0x0], $0xffff  }
0x5f: {  	v21 =	vor.u32 $0x10, v4;
	v22 =	vld.idx.msk [tilespmem:v60+s17+$0x0], $0xffff;
	v5 =	vadd.f32 v6, v5;
	v6 =	vmul.f32 v58, v14  }
0x60: {  	v24 =	vor.u32 $0x11, v4;
	v9 =	vld.idx.msk [tilespmem:v59+s15+$0x0], $0xffff  }
0x61: {  	v23 =	vor.u32 $0x11, v3;
	v25 =	vld.idx.msk [tilespmem:v63+s17+$0x0], $0xffff;
	v5 =	vadd.f32 v6, v5;
	v6 =	vmul.f32 v61, v16  }
0x62: {  	v27 =	vor.u32 $0x12, v4;
	v12 =	vld.idx.msk [tilespmem:v62+s15+$0x0], $0xffff  }
0x63: {  	v26 =	vor.u32 $0x12, v3;
	v13 =	vld.idx.msk [tilespmem:v20+s15+$0x0], $0xffff;
	v5 =	vadd.f32 v6, v5;
	v6 =	vmul.f32 v7, v11  }
0x64: {  	v28 =	vor.u32 $0x13, v3;
	v7 =	vld.idx.msk [tilespmem:v21+s17+$0x0], $0xffff  }
0x65: {  	v29 =	vor.u32 $0x13, v4;
	v30 =	vld.idx.msk [tilespmem:v24+s17+$0x0], $0xffff;
	v5 =	vadd.f32 v6, v5;
	v6 =	vmul.f32 v22, v9  }
0x66: {  	v32 =	vor.u32 $0x14, v4;
	v14 =	vld.idx.msk [tilespmem:v23+s15+$0x0], $0xffff  }
0x67: {  	v31 =	vor.u32 $0x14, v3;
	v33 =	vld.idx.msk [tilespmem:v27+s17+$0x0], $0xffff;
	v5 =	vadd.f32 v6, v5;
	v6 =	vmul.f32 v25, v12  }
0x68: {  	v35 =	vor.u32 $0x15, v4;
	v16 =	vld.idx.msk [tilespmem:v26+s15+$0x0], $0xffff  }
0x69: {  	v34 =	vor.u32 $0x15, v3;
	v11 =	vld.idx.msk [tilespmem:v28+s15+$0x0], $0xffff;
	v5 =	vadd.f32 v6, v5;
	v6 =	vmul.f32 v7, v13  }
0x6a: {  	v36 =	vor.u32 $0x16, v3;
	v7 =	vld.idx.msk [tilespmem:v29+s17+$0x0], $0xffff  }
0x6b: {  	v37 =	vor.u32 $0x16, v4;
	v38 =	vld.idx.msk [tilespmem:v32+s17+$0x0], $0xffff;
	v5 =	vadd.f32 v6, v5;
	v6 =	vmul.f32 v30, v14  }
0x6c: {  	v40 =	vor.u32 $0x17, v4;
	v9 =	vld.idx.msk [tilespmem:v31+s15+$0x0], $0xffff  }
0x6d: {  	v39 =	vor.u32 $0x17, v3;
	v41 =	vld.idx.msk [tilespmem:v35+s17+$0x0], $0xffff;
	v5 =	vadd.f32 v6, v5;
	v6 =	vmul.f32 v33, v16  }
0x6e: {  	v43 =	vor.u32 $0x18, v4;
	v12 =	vld.idx.msk [tilespmem:v34+s15+$0x0], $0xffff  }
0x6f: {  	v42 =	vor.u32 $0x18, v3;
	v13 =	vld.idx.msk [tilespmem:v36+s15+$0x0], $0xffff;
	v5 =	vadd.f32 v6, v5;
	v6 =	vmul.f32 v7, v11  }
0x70: {  	v44 =	vor.u32 $0x19, v3;
	v7 =	vld.idx.msk [tilespmem:v37+s17+$0x0], $0xffff  }
0x71: {  	v45 =	vor.u32 $0x19, v4;
	v46 =	vld.idx.msk [tilespmem:v40+s17+$0x0], $0xffff;
	v5 =	vadd.f32 v6, v5;
	v6 =	vmul.f32 v38, v9  }
0x72: {  	v48 =	vor.u32 $0x1A, v4;
	v14 =	vld.idx.msk [tilespmem:v39+s15+$0x0], $0xffff  }
0x73: {  	v47 =	vor.u32 $0x1A, v3;
	v49 =	vld.idx.msk [tilespmem:v43+s17+$0x0], $0xffff;
	v5 =	vadd.f32 v6, v5;
	v6 =	vmul.f32 v41, v12  }
0x74: {  	v51 =	vor.u32 $0x1B, v4;
	v16 =	vld.idx.msk [tilespmem:v42+s15+$0x0], $0xffff  }
0x75: {  	v50 =	vor.u32 $0x1B, v3;
	v11 =	vld.idx.msk [tilespmem:v44+s15+$0x0], $0xffff;
	v5 =	vadd.f32 v6, v5;
	v6 =	vmul.f32 v7, v13  }
0x76: {  	v52 =	vor.u32 $0x1C, v3;
	v7 =	vld.idx.msk [tilespmem:v45+s17+$0x0], $0xffff  }
0x77: {  	v54 =	vld.idx.msk [tilespmem:v48+s17+$0x0], $0xffff;
	v53 =	vor.u32 $0x1C, v4;
	v5 =	vadd.f32 v6, v5;
	v6 =	vmul.f32 v46, v14  }
0x78: {  	v55 =	vor.u32 $0x1D, v3;
	v9 =	vld.idx.msk [tilespmem:v47+s15+$0x0], $0xffff  }
0x79: {  	v56 =	vor.u32 $0x1D, v4;
	v57 =	vld.idx.msk [tilespmem:v51+s17+$0x0], $0xffff;
	v5 =	vadd.f32 v6, v5;
	v6 =	vmul.f32 v49, v16  }
0x7a: {  	v59 =	vor.u32 $0x1E, v4;
	v12 =	vld.idx.msk [tilespmem:v50+s15+$0x0], $0xffff  }
0x7b: {  	v58 =	vor.u32 $0x1E, v3;
	v13 =	vld.idx.msk [tilespmem:v52+s15+$0x0], $0xffff;
	v5 =	vadd.f32 v6, v5;
	v6 =	vmul.f32 v7, v11  }
0x7c: {  	v4 =	vor.u32 $0x1F, v4;
	v7 =	vld.idx.msk [tilespmem:v53+s17+$0x0], $0xffff  }
0x7d: {  	v60 =	vld.idx.msk [tilespmem:v55+s15+$0x0], $0xffff;
	v3 =	vor.u32 $0x1F, v3;
	v5 =	vadd.f32 v6, v5;
	v6 =	vmul.f32 v54, v9  }
0x7e: {  	v61 =	vld.idx.msk [tilespmem:v56+s17+$0x0], $0xffff  }
0x7f: {  	v63 =	vld.idx.msk [tilespmem:v59+s17+$0x0], $0xffff;
	v5 =	vadd.f32 v6, v5;
	v6 =	vmul.f32 v57, v12  }
0x80: {  	v62 =	vld.idx.msk [tilespmem:v58+s15+$0x0], $0xffff  }
0x81: {  	v4 =	vld.idx.msk [tilespmem:v4+s17+$0x0], $0xffff;
	v5 =	vadd.f32 v6, v5;
	v6 =	vmul.f32 v7, v13  }
0x82: {  	v3 =	vld.idx.msk [tilespmem:v3+s15+$0x0], $0xffff  }
0x83: {  	v5 =	vadd.f32 v6, v5;
	v6 =	vmul.f32 v61, v60;
	_ =	sdelay $0x1  }
0x84: {  	v5 =	vadd.f32 v6, v5;
	v6 =	vmul.f32 v63, v62;
	_ =	sdelay $0x1  }
0x85: {  	v3 =	vmul.f32 v4, v3;
	v5 =	vadd.f32 v6, v5;
	_ =	sdelay $0x1  }
0x86: {  	v3 =	vadd.f32 v3, v5;
	_ =	sdelay $0x1  }
0x87: {  	v3 =	vmul.f32 v3, v1;
	_ =	sdelay $0x1  }
0x88: {  	v3 =	vadd.f32 v3, v2;
	_ =	sdelay $0x1  }
0x89: {  	v3 =	vsub.f32 $0.0e+00, v3;
	_ =	sdelay $0x1  }
0x8a: {  	v3 =	vmul.f32 $1.442695020e+00, v3;
	_ =	sdelay $0x1  }
0x8b: {  	(erf) = vpow2.f32 v3;
	_ =	sdelay $0x8  }
0x8c: {  	v3 =	vpop (erf)  }
0x8d: {  	v3 =	vadd.f32 $1.000000000e+00, v3;
	_ =	sdelay $0x1  }
0x8e: {  	(erf) = vrcp.f32 v3;
	_ =	sdelay $0x8  }
0x8f: {  	s22 =	sadd.s32 $0x10700, s23;
	v3 =	vpop (erf)  }
0x90: {  	s23 =	sadd.s32 $0x10, s23;
	[tilespmem:s22+$0x0] =	vst v3  }
0x91: {  	v4 =	vld [tilespmem:s23+$0x0]  }
0x92: {  	s24 =	sadd.s32 $0x10, s24  }
0x93: {  	s25 =	simm.s32 $0x10;
	s26 =	simm.s32 $0x20;
	v3 =	vld [tilespmem:s24+$0x0]  }
.LBB2_5:
0x94: {  	p1 =	sne.s32 s26, $0xF0  }
0x95: {  	v5 =	vmov s25;
	s25 =	smov.u32 s26  }
0x96: {  	v5 =	vshll.u32 v5, $0x7;
	v4 =	vshll.u32 v4, $0x5  }
0x97: {  	v5 =	vor.u32 v0, v5;
	v4 =	vand.u32 $0x60, v4  }
0x98: {  	v6 =	vshll.u32 v3, $0x5;
	v3 =	vor.u32 v5, v4  }
0x99: {  	v4 =	vand.u32 $0x60, v6;
	v6 =	vor.u32 $0x1, v3  }
0x9a: {  	v4 =	vor.u32 v5, v4  }
0x9b: {  	v5 =	vor.u32 $0x1, v4  }
0x9c: {  	v7 =	vor.u32 $0x2, v3  }
0x9d: {  	v9 =	vor.u32 $0x2, v4;
	v8 =	vld.idx.msk [tilespmem:v3+s15+$0x0], $0xffff  }
0x9e: {  	v10 =	vor.u32 $0x3, v3;
	v6 =	vld.idx.msk [tilespmem:v6+s15+$0x0], $0xffff  }
0x9f: {  	v12 =	vor.u32 $0x3, v4;
	v11 =	vld.idx.msk [tilespmem:v4+s17+$0x0], $0xffff  }
0xa0: {  	v13 =	vor.u32 $0x4, v3;
	v5 =	vld.idx.msk [tilespmem:v5+s17+$0x0], $0xffff  }
0xa1: {  	v14 =	vor.u32 $0x4, v4;
	v7 =	vld.idx.msk [tilespmem:v7+s15+$0x0], $0xffff  }
0xa2: {  	v15 =	vor.u32 $0x5, v3;
	v9 =	vld.idx.msk [tilespmem:v9+s17+$0x0], $0xffff  }
0xa3: {  	v16 =	vor.u32 $0x5, v4;
	v10 =	vld.idx.msk [tilespmem:v10+s15+$0x0], $0xffff  }
0xa4: {  	v17 =	vor.u32 $0x6, v3;
	v12 =	vld.idx.msk [tilespmem:v12+s17+$0x0], $0xffff  }
0xa5: {  	v18 =	vor.u32 $0x6, v4;
	v13 =	vld.idx.msk [tilespmem:v13+s15+$0x0], $0xffff  }
0xa6: {  	v8 =	vmul.f32 v11, v8;
	v11 =	vor.u32 $0x7, v3;
	v5 =	vmul.f32 v5, v6;
	v6 =	vld.idx.msk [tilespmem:v14+s17+$0x0], $0xffff  }
0xa7: {  	v14 =	vld.idx.msk [tilespmem:v15+s15+$0x0], $0xffff;
	v15 =	vor.u32 $0x7, v4  }
0xa8: {  	v5 =	vadd.f32 v5, v8;
	v7 =	vmul.f32 v9, v7;
	v9 =	vor.u32 $0x8, v3;
	v8 =	vld.idx.msk [tilespmem:v16+s17+$0x0], $0xffff  }
0xa9: {  	v16 =	vld.idx.msk [tilespmem:v17+s15+$0x0], $0xffff;
	v17 =	vor.u32 $0x8, v4  }
0xaa: {  	v5 =	vadd.f32 v7, v5;
	v7 =	vmul.f32 v12, v10;
	v12 =	vor.u32 $0x9, v3;
	v10 =	vld.idx.msk [tilespmem:v18+s17+$0x0], $0xffff  }
0xab: {  	v18 =	vor.u32 $0x9, v4;
	v11 =	vld.idx.msk [tilespmem:v11+s15+$0x0], $0xffff  }
0xac: {  	v5 =	vadd.f32 v7, v5;
	v6 =	vmul.f32 v6, v13;
	v13 =	vor.u32 $0xA, v3;
	v7 =	vld.idx.msk [tilespmem:v15+s17+$0x0], $0xffff  }
0xad: {  	v15 =	vor.u32 $0xA, v4;
	v9 =	vld.idx.msk [tilespmem:v9+s15+$0x0], $0xffff  }
0xae: {  	v5 =	vadd.f32 v6, v5;
	v6 =	vmul.f32 v8, v14;
	v14 =	vor.u32 $0xB, v3;
	v8 =	vld.idx.msk [tilespmem:v17+s17+$0x0], $0xffff  }
0xaf: {  	v17 =	vor.u32 $0xB, v4;
	v12 =	vld.idx.msk [tilespmem:v12+s15+$0x0], $0xffff  }
0xb0: {  	v5 =	vadd.f32 v6, v5;
	v6 =	vmul.f32 v10, v16;
	v16 =	vor.u32 $0xC, v3;
	v10 =	vld.idx.msk [tilespmem:v18+s17+$0x0], $0xffff  }
0xb1: {  	v18 =	vor.u32 $0xC, v4;
	v13 =	vld.idx.msk [tilespmem:v13+s15+$0x0], $0xffff  }
0xb2: {  	v5 =	vadd.f32 v6, v5;
	v6 =	vmul.f32 v7, v11;
	v11 =	vor.u32 $0xD, v3;
	v7 =	vld.idx.msk [tilespmem:v15+s17+$0x0], $0xffff  }
0xb3: {  	v15 =	vor.u32 $0xD, v4;
	v14 =	vld.idx.msk [tilespmem:v14+s15+$0x0], $0xffff  }
0xb4: {  	v5 =	vadd.f32 v6, v5;
	v6 =	vmul.f32 v8, v9;
	v9 =	vor.u32 $0xE, v3;
	v8 =	vld.idx.msk [tilespmem:v17+s17+$0x0], $0xffff  }
0xb5: {  	v17 =	vor.u32 $0xE, v4;
	v16 =	vld.idx.msk [tilespmem:v16+s15+$0x0], $0xffff  }
0xb6: {  	v5 =	vadd.f32 v6, v5;
	v6 =	vmul.f32 v10, v12;
	v12 =	vor.u32 $0xF, v3;
	v10 =	vld.idx.msk [tilespmem:v18+s17+$0x0], $0xffff  }
0xb7: {  	v18 =	vor.u32 $0xF, v4;
	v11 =	vld.idx.msk [tilespmem:v11+s15+$0x0], $0xffff  }
0xb8: {  	v5 =	vadd.f32 v6, v5;
	v6 =	vmul.f32 v7, v13;
	v13 =	vor.u32 $0x10, v3;
	v7 =	vld.idx.msk [tilespmem:v15+s17+$0x0], $0xffff  }
0xb9: {  	v15 =	vor.u32 $0x10, v4;
	v9 =	vld.idx.msk [tilespmem:v9+s15+$0x0], $0xffff  }
0xba: {  	v5 =	vadd.f32 v6, v5;
	v6 =	vmul.f32 v8, v14;
	v14 =	vor.u32 $0x11, v3;
	v8 =	vld.idx.msk [tilespmem:v17+s17+$0x0], $0xffff  }
0xbb: {  	v17 =	vor.u32 $0x11, v4;
	v12 =	vld.idx.msk [tilespmem:v12+s15+$0x0], $0xffff  }
0xbc: {  	v5 =	vadd.f32 v6, v5;
	v6 =	vmul.f32 v10, v16;
	v16 =	vor.u32 $0x12, v3;
	v10 =	vld.idx.msk [tilespmem:v18+s17+$0x0], $0xffff  }
0xbd: {  	v18 =	vor.u32 $0x12, v4;
	v13 =	vld.idx.msk [tilespmem:v13+s15+$0x0], $0xffff  }
0xbe: {  	v5 =	vadd.f32 v6, v5;
	v6 =	vmul.f32 v7, v11;
	v11 =	vor.u32 $0x13, v3;
	v7 =	vld.idx.msk [tilespmem:v15+s17+$0x0], $0xffff  }
0xbf: {  	v15 =	vor.u32 $0x13, v4;
	v14 =	vld.idx.msk [tilespmem:v14+s15+$0x0], $0xffff  }
0xc0: {  	v5 =	vadd.f32 v6, v5;
	v6 =	vmul.f32 v8, v9;
	v9 =	vor.u32 $0x14, v3;
	v8 =	vld.idx.msk [tilespmem:v17+s17+$0x0], $0xffff  }
0xc1: {  	v17 =	vor.u32 $0x14, v4;
	v16 =	vld.idx.msk [tilespmem:v16+s15+$0x0], $0xffff  }
0xc2: {  	v5 =	vadd.f32 v6, v5;
	v6 =	vmul.f32 v10, v12;
	v12 =	vor.u32 $0x15, v3;
	v10 =	vld.idx.msk [tilespmem:v18+s17+$0x0], $0xffff  }
0xc3: {  	v18 =	vor.u32 $0x15, v4;
	v11 =	vld.idx.msk [tilespmem:v11+s15+$0x0], $0xffff  }
0xc4: {  	v5 =	vadd.f32 v6, v5;
	v6 =	vmul.f32 v7, v13;
	v13 =	vor.u32 $0x16, v3;
	v7 =	vld.idx.msk [tilespmem:v15+s17+$0x0], $0xffff  }
0xc5: {  	v15 =	vor.u32 $0x16, v4;
	v9 =	vld.idx.msk [tilespmem:v9+s15+$0x0], $0xffff  }
0xc6: {  	v5 =	vadd.f32 v6, v5;
	v6 =	vmul.f32 v8, v14;
	v14 =	vor.u32 $0x17, v3;
	v8 =	vld.idx.msk [tilespmem:v17+s17+$0x0], $0xffff  }
0xc7: {  	v17 =	vor.u32 $0x17, v4;
	v12 =	vld.idx.msk [tilespmem:v12+s15+$0x0], $0xffff  }
0xc8: {  	v5 =	vadd.f32 v6, v5;
	v6 =	vmul.f32 v10, v16;
	v16 =	vor.u32 $0x18, v3;
	v10 =	vld.idx.msk [tilespmem:v18+s17+$0x0], $0xffff  }
0xc9: {  	v18 =	vor.u32 $0x18, v4;
	v13 =	vld.idx.msk [tilespmem:v13+s15+$0x0], $0xffff  }
0xca: {  	v5 =	vadd.f32 v6, v5;
	v6 =	vmul.f32 v7, v11;
	v11 =	vor.u32 $0x19, v3;
	v7 =	vld.idx.msk [tilespmem:v15+s17+$0x0], $0xffff  }
0xcb: {  	v15 =	vor.u32 $0x19, v4;
	v14 =	vld.idx.msk [tilespmem:v14+s15+$0x0], $0xffff  }
0xcc: {  	v5 =	vadd.f32 v6, v5;
	v6 =	vmul.f32 v8, v9;
	v9 =	vor.u32 $0x1A, v3;
	v8 =	vld.idx.msk [tilespmem:v17+s17+$0x0], $0xffff  }
0xcd: {  	v17 =	vor.u32 $0x1A, v4;
	v16 =	vld.idx.msk [tilespmem:v16+s15+$0x0], $0xffff  }
0xce: {  	v5 =	vadd.f32 v6, v5;
	v6 =	vmul.f32 v10, v12;
	v12 =	vor.u32 $0x1B, v3;
	v10 =	vld.idx.msk [tilespmem:v18+s17+$0x0], $0xffff  }
0xcf: {  	v18 =	vor.u32 $0x1B, v4;
	v11 =	vld.idx.msk [tilespmem:v11+s15+$0x0], $0xffff  }
0xd0: {  	v5 =	vadd.f32 v6, v5;
	v6 =	vmul.f32 v7, v13;
	v13 =	vor.u32 $0x1C, v3;
	v7 =	vld.idx.msk [tilespmem:v15+s17+$0x0], $0xffff  }
0xd1: {  	v15 =	vor.u32 $0x1C, v4;
	v9 =	vld.idx.msk [tilespmem:v9+s15+$0x0], $0xffff  }
0xd2: {  	v5 =	vadd.f32 v6, v5;
	v6 =	vmul.f32 v8, v14;
	v14 =	vor.u32 $0x1D, v3;
	v8 =	vld.idx.msk [tilespmem:v17+s17+$0x0], $0xffff  }
0xd3: {  	v17 =	vor.u32 $0x1D, v4;
	v12 =	vld.idx.msk [tilespmem:v12+s15+$0x0], $0xffff  }
0xd4: {  	v5 =	vadd.f32 v6, v5;
	v6 =	vmul.f32 v10, v16;
	v16 =	vor.u32 $0x1E, v3;
	v10 =	vld.idx.msk [tilespmem:v18+s17+$0x0], $0xffff  }
0xd5: {  	v18 =	vor.u32 $0x1E, v4;
	v13 =	vld.idx.msk [tilespmem:v13+s15+$0x0], $0xffff  }
0xd6: {  	v3 =	vor.u32 $0x1F, v3;
	v5 =	vadd.f32 v6, v5;
	v6 =	vmul.f32 v7, v11;
	v7 =	vld.idx.msk [tilespmem:v15+s17+$0x0], $0xffff  }
0xd7: {  	v4 =	vor.u32 $0x1F, v4;
	v11 =	vld.idx.msk [tilespmem:v14+s15+$0x0], $0xffff  }
0xd8: {  	v5 =	vadd.f32 v6, v5;
	v6 =	vmul.f32 v8, v9;
	v8 =	vld.idx.msk [tilespmem:v17+s17+$0x0], $0xffff  }
0xd9: {  	v9 =	vld.idx.msk [tilespmem:v16+s15+$0x0], $0xffff  }
0xda: {  	v5 =	vadd.f32 v6, v5;
	v6 =	vmul.f32 v10, v12;
	v10 =	vld.idx.msk [tilespmem:v18+s17+$0x0], $0xffff  }
0xdb: {  	v3 =	vld.idx.msk [tilespmem:v3+s15+$0x0], $0xffff  }
0xdc: {  	v5 =	vadd.f32 v6, v5;
	v6 =	vmul.f32 v7, v13;
	v4 =	vld.idx.msk [tilespmem:v4+s17+$0x0], $0xffff;
	_ =	sdelay $0x1  }
0xdd: {  	v5 =	vadd.f32 v6, v5;
	v6 =	vmul.f32 v8, v11;
	_ =	sdelay $0x1  }
0xde: {  	v5 =	vadd.f32 v6, v5;
	v6 =	vmul.f32 v10, v9;
	_ =	sdelay $0x1  }
0xdf: {  	v5 =	vadd.f32 v6, v5;
	v3 =	vmul.f32 v4, v3;
	_ =	sdelay $0x1  }
0xe0: {  	v3 =	vadd.f32 v3, v5;
	_ =	sdelay $0x1  }
0xe1: {  	v3 =	vmul.f32 v3, v1;
	_ =	sdelay $0x1  }
0xe2: {  	v3 =	vadd.f32 v3, v2;
	_ =	sdelay $0x1  }
0xe3: {  	v3 =	vsub.f32 $0.0e+00, v3;
	_ =	sdelay $0x1  }
0xe4: {  	v3 =	vmul.f32 $1.442695020e+00, v3;
	_ =	sdelay $0x1  }
0xe5: {  	(erf) = vpow2.f32 v3;
	_ =	sdelay $0x8  }
0xe6: {  	v3 =	vpop (erf)  }
0xe7: {  	v3 =	vadd.f32 $1.000000000e+00, v3;
	_ =	sdelay $0x1  }
0xe8: {  	(erf) = vrcp.f32 v3;
	_ =	sdelay $0x8  }
.Ltmp1:
0xe9: {  	s22 =	sadd.s32 $0x10, s22;
	v3 =	vpop (erf);
	(pc) =	sbr.rel @p1 .LBB2_5-.Ltmp1, $4  }
0xea: {  	s23 =	sadd.s32 $0x10, s23;
	[tilespmem:s22+$0x0] =	vst v3  }
0xeb: {  	v4 =	vld [tilespmem:s23+$0x0]  }
0xec: {  	s24 =	sadd.s32 $0x10, s24  }
0xed: {  	s26 =	sadd.s32 $0x10, s26;
	v3 =	vld [tilespmem:s24+$0x0]  }
0xee: {  	_ = 	snop  }
0xef: {  	v5 =	vmov s25  }
0xf0: {  	v5 =	vshll.u32 v5, $0x7;
	v4 =	vshll.u32 v4, $0x5  }
0xf1: {  	v5 =	vor.u32 v0, v5;
	v4 =	vand.u32 $0x60, v4  }
0xf2: {  	v6 =	vshll.u32 v3, $0x5;
	v3 =	vor.u32 v5, v4  }
0xf3: {  	v42 =	vand.u32 $0x60, v6;
	v43 =	vor.u32 $0x1, v3  }
0xf4: {  	v4 =	vor.u32 v5, v42  }
0xf5: {  	v5 =	vor.u32 $0x1, v4  }
0xf6: {  	v7 =	vor.u32 $0x2, v3  }
0xf7: {  	v9 =	vor.u32 $0x2, v4;
	v8 =	vld.idx.msk [tilespmem:v3+s15+$0x0], $0xffff  }
0xf8: {  	v10 =	vor.u32 $0x3, v3;
	v6 =	vld.idx.msk [tilespmem:v43+s15+$0x0], $0xffff  }
0xf9: {  	v12 =	vor.u32 $0x3, v4;
	v11 =	vld.idx.msk [tilespmem:v4+s17+$0x0], $0xffff  }
0xfa: {  	v13 =	vor.u32 $0x4, v3;
	v5 =	vld.idx.msk [tilespmem:v5+s17+$0x0], $0xffff  }
0xfb: {  	v14 =	vor.u32 $0x4, v4;
	v7 =	vld.idx.msk [tilespmem:v7+s15+$0x0], $0xffff  }
0xfc: {  	v15 =	vor.u32 $0x5, v3;
	v9 =	vld.idx.msk [tilespmem:v9+s17+$0x0], $0xffff  }
0xfd: {  	v16 =	vor.u32 $0x5, v4;
	v10 =	vld.idx.msk [tilespmem:v10+s15+$0x0], $0xffff  }
0xfe: {  	v17 =	vor.u32 $0x6, v3;
	v12 =	vld.idx.msk [tilespmem:v12+s17+$0x0], $0xffff  }
0xff: {  	v18 =	vor.u32 $0x6, v4;
	v13 =	vld.idx.msk [tilespmem:v13+s15+$0x0], $0xffff;
	v8 =	vmul.f32 v11, v8;
	v5 =	vmul.f32 v5, v6  }
0x100: {  	v47 =	vor.u32 $0x7, v4;
	v44 =	vld.idx.msk [tilespmem:v14+s17+$0x0], $0xffff  }
0x101: {  	v45 =	vor.u32 $0x7, v3;
	v46 =	vld.idx.msk [tilespmem:v15+s15+$0x0], $0xffff;
	v7 =	vmul.f32 v9, v7;
	v5 =	vadd.f32 v5, v8  }
0x102: {  	v51 =	vor.u32 $0x8, v4;
	v48 =	vld.idx.msk [tilespmem:v16+s17+$0x0], $0xffff  }
0x103: {  	v49 =	vor.u32 $0x8, v3;
	v50 =	vld.idx.msk [tilespmem:v17+s15+$0x0], $0xffff;
	v52 =	vmul.f32 v12, v10;
	v5 =	vadd.f32 v7, v5  }
0x104: {  	v55 =	vor.u32 $0x9, v4;
	v53 =	vld.idx.msk [tilespmem:v18+s17+$0x0], $0xffff  }
0x105: {  	v54 =	vor.u32 $0x9, v3;
	v56 =	vld.idx.msk [tilespmem:v47+s17+$0x0], $0xffff;
	v6 =	vmul.f32 v44, v13;
	v5 =	vadd.f32 v52, v5  }
0x106: {  	v58 =	vor.u32 $0xA, v4;
	v11 =	vld.idx.msk [tilespmem:v45+s15+$0x0], $0xffff  }
0x107: {  	v57 =	vor.u32 $0xA, v3;
	v60 =	vld.idx.msk [tilespmem:v51+s17+$0x0], $0xffff;
	v59 =	vmul.f32 v48, v46;
	v5 =	vadd.f32 v6, v5  }
0x108: {  	v61 =	vor.u32 $0xB, v3;
	v9 =	vld.idx.msk [tilespmem:v49+s15+$0x0], $0xffff  }
0x109: {  	v62 =	vor.u32 $0xB, v4;
	v21 =	vld.idx.msk [tilespmem:v55+s17+$0x0], $0xffff;
	v63 =	vmul.f32 v53, v50;
	v5 =	vadd.f32 v59, v5  }
0x10a: {  	v22 =	vor.u32 $0xC, v3;
	v12 =	vld.idx.msk [tilespmem:v54+s15+$0x0], $0xffff  }
0x10b: {  	v23 =	vor.u32 $0xC, v4;
	v25 =	vld.idx.msk [tilespmem:v58+s17+$0x0], $0xffff;
	v24 =	vmul.f32 v56, v11;
	v5 =	vadd.f32 v63, v5  }
0x10c: {  	v27 =	vor.u32 $0xD, v4;
	v13 =	vld.idx.msk [tilespmem:v57+s15+$0x0], $0xffff  }
0x10d: {  	v26 =	vor.u32 $0xD, v3;
	v14 =	vld.idx.msk [tilespmem:v61+s15+$0x0], $0xffff;
	v28 =	vmul.f32 v60, v9;
	v5 =	vadd.f32 v24, v5  }
0x10e: {  	v31 =	vor.u32 $0xE, v4;
	v29 =	vld.idx.msk [tilespmem:v62+s17+$0x0], $0xffff  }
0x10f: {  	v30 =	vor.u32 $0xE, v3;
	v16 =	vld.idx.msk [tilespmem:v22+s15+$0x0], $0xffff;
	v32 =	vmul.f32 v21, v12;
	v5 =	vadd.f32 v28, v5  }
0x110: {  	v35 =	vor.u32 $0xF, v4;
	v33 =	vld.idx.msk [tilespmem:v23+s17+$0x0], $0xffff  }
0x111: {  	v34 =	vor.u32 $0xF, v3;
	v37 =	vld.idx.msk [tilespmem:v27+s17+$0x0], $0xffff;
	v36 =	vmul.f32 v25, v13;
	v5 =	vadd.f32 v32, v5  }
0x112: {  	v39 =	vor.u32 $0x10, v4;
	v11 =	vld.idx.msk [tilespmem:v26+s15+$0x0], $0xffff  }
0x113: {  	v38 =	vor.u32 $0x10, v3;
	v41 =	vld.idx.msk [tilespmem:v31+s17+$0x0], $0xffff;
	v40 =	vmul.f32 v29, v14;
	v5 =	vadd.f32 v36, v5  }
0x114: {  	v42 =	vor.u32 $0x11, v3;
	v9 =	vld.idx.msk [tilespmem:v30+s15+$0x0], $0xffff  }
0x115: {  	v43 =	vor.u32 $0x11, v4;
	v45 =	vld.idx.msk [tilespmem:v35+s17+$0x0], $0xffff;
	v44 =	vmul.f32 v33, v16;
	v5 =	vadd.f32 v40, v5  }
0x116: {  	v47 =	vor.u32 $0x12, v4;
	v12 =	vld.idx.msk [tilespmem:v34+s15+$0x0], $0xffff  }
0x117: {  	v46 =	vor.u32 $0x12, v3;
	v49 =	vld.idx.msk [tilespmem:v39+s17+$0x0], $0xffff;
	v48 =	vmul.f32 v37, v11;
	v5 =	vadd.f32 v44, v5  }
0x118: {  	v51 =	vor.u32 $0x13, v4;
	v13 =	vld.idx.msk [tilespmem:v38+s15+$0x0], $0xffff  }
0x119: {  	v50 =	vor.u32 $0x13, v3;
	v14 =	vld.idx.msk [tilespmem:v42+s15+$0x0], $0xffff;
	v52 =	vmul.f32 v41, v9;
	v5 =	vadd.f32 v48, v5  }
0x11a: {  	v55 =	vor.u32 $0x14, v4;
	v53 =	vld.idx.msk [tilespmem:v43+s17+$0x0], $0xffff  }
0x11b: {  	v54 =	vor.u32 $0x14, v3;
	v57 =	vld.idx.msk [tilespmem:v47+s17+$0x0], $0xffff;
	v56 =	vmul.f32 v45, v12;
	v5 =	vadd.f32 v52, v5  }
0x11c: {  	v58 =	vor.u32 $0x15, v3;
	v16 =	vld.idx.msk [tilespmem:v46+s15+$0x0], $0xffff  }
0x11d: {  	v61 =	vld.idx.msk [tilespmem:v51+s17+$0x0], $0xffff;
	v59 =	vor.u32 $0x15, v4;
	v60 =	vmul.f32 v49, v13;
	v5 =	vadd.f32 v56, v5  }
0x11e: {  	v62 =	vor.u32 $0x16, v3;
	v11 =	vld.idx.msk [tilespmem:v50+s15+$0x0], $0xffff  }
0x11f: {  	v22 =	vld.idx.msk [tilespmem:v55+s17+$0x0], $0xffff;
	v21 =	vmul.f32 v53, v14;
	v63 =	vor.u32 $0x16, v4;
	v5 =	vadd.f32 v60, v5  }
0x120: {  	v23 =	vor.u32 $0x17, v3;
	v9 =	vld.idx.msk [tilespmem:v54+s15+$0x0], $0xffff  }
0x121: {  	v12 =	vld.idx.msk [tilespmem:v58+s15+$0x0], $0xffff;
	v25 =	vmul.f32 v57, v16;
	v24 =	vor.u32 $0x17, v4;
	v5 =	vadd.f32 v21, v5  }
0x122: {  	v27 =	vor.u32 $0x18, v3;
	v26 =	vld.idx.msk [tilespmem:v59+s17+$0x0], $0xffff  }
0x123: {  	v13 =	vld.idx.msk [tilespmem:v62+s15+$0x0], $0xffff;
	v29 =	vmul.f32 v61, v11;
	v28 =	vor.u32 $0x18, v4;
	v5 =	vadd.f32 v25, v5  }
0x124: {  	v31 =	vor.u32 $0x19, v3;
	v30 =	vld.idx.msk [tilespmem:v63+s17+$0x0], $0xffff  }
0x125: {  	v14 =	vld.idx.msk [tilespmem:v23+s15+$0x0], $0xffff;
	v33 =	vmul.f32 v22, v9;
	v32 =	vor.u32 $0x19, v4;
	v5 =	vadd.f32 v29, v5  }
0x126: {  	v35 =	vor.u32 $0x1A, v3;
	v34 =	vld.idx.msk [tilespmem:v24+s17+$0x0], $0xffff  }
0x127: {  	v16 =	vld.idx.msk [tilespmem:v27+s15+$0x0], $0xffff;
	v36 =	vor.u32 $0x1A, v4;
	v37 =	vmul.f32 v26, v12;
	v5 =	vadd.f32 v33, v5  }
0x128: {  	v39 =	vor.u32 $0x1B, v3;
	v38 =	vld.idx.msk [tilespmem:v28+s17+$0x0], $0xffff  }
0x129: {  	v11 =	vld.idx.msk [tilespmem:v31+s15+$0x0], $0xffff;
	v40 =	vor.u32 $0x1B, v4;
	v41 =	vmul.f32 v30, v13;
	v5 =	vadd.f32 v37, v5  }
0x12a: {  	v43 =	vor.u32 $0x1C, v3;
	v42 =	vld.idx.msk [tilespmem:v32+s17+$0x0], $0xffff  }
0x12b: {  	v9 =	vld.idx.msk [tilespmem:v35+s15+$0x0], $0xffff;
	v44 =	vor.u32 $0x1C, v4;
	v45 =	vmul.f32 v34, v14;
	v5 =	vadd.f32 v41, v5  }
0x12c: {  	v47 =	vor.u32 $0x1D, v3;
	v46 =	vld.idx.msk [tilespmem:v36+s17+$0x0], $0xffff  }
0x12d: {  	v12 =	vld.idx.msk [tilespmem:v39+s15+$0x0], $0xffff;
	v48 =	vor.u32 $0x1D, v4;
	v49 =	vmul.f32 v38, v16;
	v5 =	vadd.f32 v45, v5  }
0x12e: {  	v51 =	vor.u32 $0x1E, v3;
	v50 =	vld.idx.msk [tilespmem:v40+s17+$0x0], $0xffff  }
0x12f: {  	v13 =	vld.idx.msk [tilespmem:v43+s15+$0x0], $0xffff;
	v52 =	vor.u32 $0x1E, v4;
	v53 =	vmul.f32 v42, v11;
	v5 =	vadd.f32 v49, v5  }
0x130: {  	v3 =	vor.u32 $0x1F, v3;
	v54 =	vld.idx.msk [tilespmem:v44+s17+$0x0], $0xffff  }
0x131: {  	v55 =	vld.idx.msk [tilespmem:v47+s15+$0x0], $0xffff;
	v4 =	vor.u32 $0x1F, v4;
	v56 =	vmul.f32 v46, v9;
	v5 =	vadd.f32 v53, v5  }
0x132: {  	v57 =	vld.idx.msk [tilespmem:v48+s17+$0x0], $0xffff  }
0x133: {  	v58 =	vld.idx.msk [tilespmem:v51+s15+$0x0], $0xffff;
	v59 =	vmul.f32 v50, v12;
	v5 =	vadd.f32 v56, v5  }
0x134: {  	v60 =	vld.idx.msk [tilespmem:v52+s17+$0x0], $0xffff  }
0x135: {  	v3 =	vld.idx.msk [tilespmem:v3+s15+$0x0], $0xffff;
	v61 =	vmul.f32 v54, v13;
	v5 =	vadd.f32 v59, v5  }
0x136: {  	v4 =	vld.idx.msk [tilespmem:v4+s17+$0x0], $0xffff  }
0x137: {  	v62 =	vmul.f32 v57, v55;
	v5 =	vadd.f32 v61, v5;
	_ =	sdelay $0x1  }
0x138: {  	v63 =	vmul.f32 v60, v58;
	v5 =	vadd.f32 v62, v5;
	_ =	sdelay $0x1  }
0x139: {  	v3 =	vmul.f32 v4, v3;
	v5 =	vadd.f32 v63, v5;
	_ =	sdelay $0x1  }
0x13a: {  	v3 =	vadd.f32 v3, v5;
	_ =	sdelay $0x1  }
0x13b: {  	v3 =	vmul.f32 v3, v1;
	_ =	sdelay $0x1  }
0x13c: {  	v3 =	vadd.f32 v3, v2;
	_ =	sdelay $0x1  }
0x13d: {  	v3 =	vsub.f32 $0.0e+00, v3;
	_ =	sdelay $0x1  }
0x13e: {  	v3 =	vmul.f32 $1.442695020e+00, v3;
	_ =	sdelay $0x1  }
0x13f: {  	(erf) = vpow2.f32 v3;
	_ =	sdelay $0x8  }
0x140: {  	v3 =	vpop (erf)  }
0x141: {  	v3 =	vadd.f32 $1.000000000e+00, v3;
	_ =	sdelay $0x1  }
0x142: {  	(erf) = vrcp.f32 v3;
	_ =	sdelay $0x5  }
.Ltmp2:
0x143: {  	_ = 	snop;
	(pc) =	sbr.rel @p0 .LBB2_2-.Ltmp2, $3  }
0x144: {  	_ =	sdelay $0x1  }
0x145: {  	s22 =	sadd.s32 $0x10, s22;
	v3 =	vpop (erf)  }
0x146: {  	p1 =	por $0x0, $0x0;
	[tilespmem:s22+$0x0] =	vst v3;
	s22 =	simm.s32 $0x100  }
0x147: {  	s21 =	sadd.s32 $0x1, s21  }
0x148: {  	p0 =	sne.s32 s21, s9  }
.Ltmp3:
0x149: {  	_ = 	snop;
	(pc) =	sbr.rel @p0 .LBB2_1-.Ltmp3, $4  }
0x14a: {  	[hbm4b:s8+s1] =	stream.linear.scatter [tilespmem:s20], [sflag:$0x3], $0x200, $0x38;
	[tilespmem:$0x10900] =	vst v63  }
0x14b: {  	_ =	swait.ge [sflag:s10], $0x200  }
0x14c: {  	[sflag:s10] =	ssyncset.done $0x0  }
0x14d: {  	[sflag:s10] =	ssyncadd.s32 $0xFFFFFE00  }
0x14e: {  	_ =	sfence.sel $0x180000  }
0x14f: {  	[bflag:$0x0] =	sbarrier.arrive $0xFFFF  }
0x150: {  	p0 =	sne.s32 s2, $0x0;
	_ =	strace $0x90000047  }
0x151: {  	s0 =	sadd.s32 @!p0 $0x100000, s0;
	[bflag:$0x2] =	sbarrier.arrive $0xFFFF  }
0x152: {  	[sflag:s0] =	ssyncadd.tile.s32 @!p0 $0x1;
	_ =	shalt  }
.Lfunc_end2:
_tile_overlayer_lowered:
.L_overlay_start_2:
0x153: {  	(tag) =	ssettag $0x2  }
0x154: {  	s0 =	rddreg [dreg:$0x0];
	s2 =	stileid.u32  }
0x155: {  	s1 =	rddreg [dreg:$0x1];
	p0 =	sne.s32 s2, $0x0  }
0x156: {  	s3 =	rddreg [dreg:$0x2];
	[bflag:$0x3] =	sbarrier.arrive $0xFFFF;
	s2 =	simm.s32 @!p0 $0x1C03  }
0x157: {  	[timem:s3], [sflag:s2] =	dma.local @!p0 [hbm:s0], s1  }
0x158: {  	s0 =	simm.s32 @!p0 $0x3  }
0x159: {  	_ =	swait.ge @!p0 [sflag:s0], s1  }
0x15a: {  	s1 =	ssub.s32 @!p0 $0x0, s1;
	[sflag:s0] =	ssyncset.done @!p0 $0x0  }
0x15b: {  	[sflag:s0] =	ssyncadd.s32 @!p0 s1  }
0x15c: {  	[bflag:$0x3] =	sbarrier.arrive $0xFFFF  }
0x15d: {  	_ =	shalt  }

</sc_bundles>
